<compile_context>
chip_gen: v7x
topology: tpu7x:2x2x1
jax: 0.10.2.dev20260603
libtpu: 0.0.44.dev20260713+nightly
codegen_flags: <defaults>
</compile_context>

<pallas_src>
import functools

import jax
import jax.numpy as jnp
from jax import lax
from jax.experimental import pallas as pl
from jax.experimental.pallas import tpu as pltpu, tpu_sc as plsc

_Q = 16384
_K = 4096

_QS = 4096
_NC = 2
_NS = 16
_NW = _NC * _NS
_QW = _QS // _NW
_L = 16
_G = 8

_QT = _Q - _QS
_BQ = 2048
_OFF = _QS // _BQ

_sc_mesh = plsc.VectorSubcoreMesh(core_axis_name="c", subcore_axis_name="s")


@functools.partial(
    pl.kernel,
    mesh=_sc_mesh,
    out_type=jax.ShapeDtypeStruct((_QS,), jnp.float32),
    scratch_types=[
        pltpu.VMEM((_QW,), jnp.float32),
        pltpu.VMEM((_QW,), jnp.float32),
        pltpu.VMEM((_K,), jnp.float32),
        pltpu.VMEM((_K,), jnp.float32),
        pltpu.VMEM((_K,), jnp.float32),
        pltpu.VMEM((_QW,), jnp.float32),
    ],
)
def _sc_min_dist(xr_hbm, yr_hbm, bx_hbm, by_hbm, b2_hbm, out_hbm,
                 qx_v, qy_v, bx_v, by_v, b2_v, o_v):
    wid = lax.axis_index("s") * _NC + lax.axis_index("c")
    base = wid * _QW
    pltpu.sync_copy(xr_hbm.at[pl.ds(base, _QW)], qx_v)
    pltpu.sync_copy(yr_hbm.at[pl.ds(base, _QW)], qy_v)
    pltpu.sync_copy(bx_hbm, bx_v)
    pltpu.sync_copy(by_hbm, by_v)
    pltpu.sync_copy(b2_hbm, b2_v)

    lanes = lax.iota(jnp.int32, _L)

    def qblock(blk, carry):
        qbase = blk * _L
        qxb = qx_v[pl.ds(qbase, _L)]
        qyb = qy_v[pl.ds(qbase, _L)]
        res = jnp.zeros((_L,), jnp.float32)
        for sub in range(_L // _G):
            qxs = [qxb[sub * _G + i] for i in range(_G)]
            qys = [qyb[sub * _G + i] for i in range(_G)]
            qxm2 = [-2.0 * v for v in qxs]
            qym2 = [-2.0 * v for v in qys]
            minit = tuple(
                jnp.full((_L,), 3.0e38, jnp.float32) for _ in range(_G))

            def kbody(kj, ms, qxm2=qxm2, qym2=qym2):
                off = kj * _L
                bx = bx_v[pl.ds(off, _L)]
                by = by_v[pl.ds(off, _L)]
                b2 = b2_v[pl.ds(off, _L)]
                return tuple(
                    jnp.minimum(ms[i], qxm2[i] * bx + (qym2[i] * by + b2))
                    for i in range(_G))

            ms = lax.fori_loop(0, _K // _L, kbody, minit, unroll=2)
            for i in range(_G):
                m = ms[i]
                for s in (1, 2, 4, 8):
                    m = jnp.minimum(
                        m, m.at[lanes ^ s].get(mode="promise_in_bounds"))
                md2 = m + (qxs[i] * qxs[i] + qys[i] * qys[i])
                res = jnp.where(lanes == (sub * _G + i), md2, res)
        o_v[pl.ds(qbase, _L)] = res
        return carry

    lax.fori_loop(0, _QW // _L, qblock, 0)
    pltpu.sync_copy(o_v, out_hbm.at[pl.ds(base, _QW)])


def _tc_min_dist_kernel(x_ref, brow_ref, o_ref):
    xx = x_ref[...]
    qx = xx[:, 0:1]
    qy = xx[:, 1:2]
    bx = brow_ref[0:1, :]
    by = brow_ref[1:2, :]
    dx = qx - bx
    dy = qy - by
    d2 = dx * dx + dy * dy
    md = jnp.min(d2, axis=1)
    o_ref[...] = md.astype(jnp.float32)


@jax.jit
def kernel(x, boundary_points):
    xr = x[:_QS, 0]
    yr = x[:_QS, 1]
    bx = boundary_points[:, 0]
    by = boundary_points[:, 1]
    b2 = bx * bx + by * by

    md2_sc = _sc_min_dist(xr, yr, bx, by, b2)

    xb = x.astype(jnp.bfloat16)
    brow = boundary_points.T.astype(jnp.bfloat16)
    md2_tc = pl.pallas_call(
        _tc_min_dist_kernel,
        grid=(_QT // _BQ,),
        in_specs=[
            pl.BlockSpec((_BQ, 2), lambda i: (i + _OFF, 0)),
            pl.BlockSpec(brow.shape, lambda i: (0, 0)),
        ],
        out_specs=pl.BlockSpec((_BQ,), lambda i: (i,)),
        out_shape=jax.ShapeDtypeStruct((_QT,), jnp.float32),
    )(xb, brow)

    md2 = jnp.concatenate([md2_sc, md2_tc])
    min_dist = jnp.sqrt(jnp.maximum(md2, 0.0))[:, None]
    return jnp.concatenate([x, min_dist], axis=-1)

# --- scband reference (transcript-rebuilt; emitter-appended) ---
"""Pipeline reference for scband-geometry-encoder-8203387535652 (READ-ONLY COPY).

The authoritative reference and input builder live on the scoring server;
editing this copy changes nothing except your own understanding.
"""

import jax, jax.numpy as jnp
import numpy as np


def setup_inputs(seed: int = 0) -> dict:
    key = jax.random.key(seed)
    k1, k2 = jax.random.split(key)
    x = jax.random.normal(k1, (16384, 2), dtype=jnp.float32)
    boundary_points = jax.random.normal(k2, (4096, 2), dtype=jnp.float32)
    return {"x": x, "boundary_points": boundary_points}


def reference(x, boundary_points):
    # distance_field encoding: min distance from each query point to boundary points
    diffs = x[:, None, :] - boundary_points[None, :, :]  # [Q, K, 2]
    dist = jnp.linalg.norm(diffs, axis=2)  # [Q, K]
    min_dist = jnp.min(dist, axis=1)[:, None]  # [Q, 1]
    return jnp.concatenate([x, min_dist], axis=-1)  # [Q, 3]

if __name__ == "__main__":
    import jax
    _d = setup_inputs()
    print(jax.jit(kernel)(*tuple(_d.values())))

</pallas_src>

<mosaic_0001>
#map = affine_map<(d0, d1) -> (0)>
module attributes {stable_mosaic.version = 14 : i64} {
  func.func @_sc_min_dist(%arg0: i32, %arg1: i32, %arg2: memref<4096xf32, #tpu.memory_space<hbm>>, %arg3: memref<4096xf32, #tpu.memory_space<hbm>>, %arg4: memref<4096xf32, #tpu.memory_space<hbm>>, %arg5: memref<4096xf32, #tpu.memory_space<hbm>>, %arg6: memref<4096xf32, #tpu.memory_space<hbm>>, %arg7: memref<4096xf32, #tpu.memory_space<hbm>>, %arg8: memref<128xf32, #tpu.memory_space<vmem>>, %arg9: memref<128xf32, #tpu.memory_space<vmem>>, %arg10: memref<4096xf32, #tpu.memory_space<vmem>>, %arg11: memref<4096xf32, #tpu.memory_space<vmem>>, %arg12: memref<4096xf32, #tpu.memory_space<vmem>>, %arg13: memref<128xf32, #tpu.memory_space<vmem>>) attributes {dimension_semantics = [#tpu.dimension_semantics<core_parallel>, #tpu.dimension_semantics<subcore_parallel>], iteration_bounds = array<i64: 2, 16>, scalar_prefetch = 0 : i64, scratch_operands = 6 : i64, tpu.core_type = #tpu.core_type<sc_vector_subcore>, window_params = [{transform_indices = #map}, {transform_indices = #map}, {transform_indices = #map}, {transform_indices = #map}, {transform_indices = #map}, {transform_indices = #map}]} {
    %mul3A = arith.constant 2 : i32
    %mul3A_0 = arith.muli %arg1, %mul3A : i32
    %add3A = arith.addi %mul3A_0, %arg0 : i32
    %mul3A_1 = arith.constant 128 : i32
    %mul3A_2 = arith.muli %add3A, %mul3A_1 : i32
    "tpu.region"() ({
      %run_scoped3A = tpu.sem_alloc : memref<!tpu.dma_semaphore, #tpu.memory_space<semaphore_mem>>
      %dma_start3A = tpu.memref_slice %arg2[%mul3A_2] : memref<4096xf32, #tpu.memory_space<hbm>> -> memref<128xf32, #tpu.memory_space<hbm>>
      %dma_start3A_8 = tpu.memref_slice %arg2[%mul3A_2] : memref<4096xf32, #tpu.memory_space<hbm>> -> memref<128xf32, #tpu.memory_space<hbm>>
      tpu.enqueue_dma source(%dma_start3A_8 : memref<128xf32, #tpu.memory_space<hbm>>) target(%arg8 : memref<128xf32, #tpu.memory_space<vmem>>) target_semaphore(%run_scoped3A : memref<!tpu.dma_semaphore, #tpu.memory_space<semaphore_mem>>)
      %dma_wait3A = tpu.memref_slice %arg2[%mul3A_2] : memref<4096xf32, #tpu.memory_space<hbm>> -> memref<128xf32, #tpu.memory_space<hbm>>
      %dma_wait3A_9 = tpu.memref_slice %arg2[%mul3A_2] : memref<4096xf32, #tpu.memory_space<hbm>> -> memref<128xf32, #tpu.memory_space<hbm>>
      tpu.wait_dma2 semaphore(%run_scoped3A : memref<!tpu.dma_semaphore, #tpu.memory_space<semaphore_mem>>) src(%dma_wait3A_9 : memref<128xf32, #tpu.memory_space<hbm>>) dst(%arg8 : memref<128xf32, #tpu.memory_space<vmem>>)
      tpu.yield
    }) : () -> ()
    "tpu.region"() ({
      %run_scoped3A = tpu.sem_alloc : memref<!tpu.dma_semaphore, #tpu.memory_space<semaphore_mem>>
      %dma_start3A = tpu.memref_slice %arg3[%mul3A_2] : memref<4096xf32, #tpu.memory_space<hbm>> -> memref<128xf32, #tpu.memory_space<hbm>>
      %dma_start3A_8 = tpu.memref_slice %arg3[%mul3A_2] : memref<4096xf32, #tpu.memory_space<hbm>> -> memref<128xf32, #tpu.memory_space<hbm>>
      tpu.enqueue_dma source(%dma_start3A_8 : memref<128xf32, #tpu.memory_space<hbm>>) target(%arg9 : memref<128xf32, #tpu.memory_space<vmem>>) target_semaphore(%run_scoped3A : memref<!tpu.dma_semaphore, #tpu.memory_space<semaphore_mem>>)
      %dma_wait3A = tpu.memref_slice %arg3[%mul3A_2] : memref<4096xf32, #tpu.memory_space<hbm>> -> memref<128xf32, #tpu.memory_space<hbm>>
      %dma_wait3A_9 = tpu.memref_slice %arg3[%mul3A_2] : memref<4096xf32, #tpu.memory_space<hbm>> -> memref<128xf32, #tpu.memory_space<hbm>>
      tpu.wait_dma2 semaphore(%run_scoped3A : memref<!tpu.dma_semaphore, #tpu.memory_space<semaphore_mem>>) src(%dma_wait3A_9 : memref<128xf32, #tpu.memory_space<hbm>>) dst(%arg9 : memref<128xf32, #tpu.memory_space<vmem>>)
      tpu.yield
    }) : () -> ()
    "tpu.region"() ({
      %run_scoped3A = tpu.sem_alloc : memref<!tpu.dma_semaphore, #tpu.memory_space<semaphore_mem>>
      tpu.enqueue_dma source(%arg4 : memref<4096xf32, #tpu.memory_space<hbm>>) target(%arg10 : memref<4096xf32, #tpu.memory_space<vmem>>) target_semaphore(%run_scoped3A : memref<!tpu.dma_semaphore, #tpu.memory_space<semaphore_mem>>)
      tpu.wait_dma2 semaphore(%run_scoped3A : memref<!tpu.dma_semaphore, #tpu.memory_space<semaphore_mem>>) src(%arg4 : memref<4096xf32, #tpu.memory_space<hbm>>) dst(%arg10 : memref<4096xf32, #tpu.memory_space<vmem>>)
      tpu.yield
    }) : () -> ()
    "tpu.region"() ({
      %run_scoped3A = tpu.sem_alloc : memref<!tpu.dma_semaphore, #tpu.memory_space<semaphore_mem>>
      tpu.enqueue_dma source(%arg5 : memref<4096xf32, #tpu.memory_space<hbm>>) target(%arg11 : memref<4096xf32, #tpu.memory_space<vmem>>) target_semaphore(%run_scoped3A : memref<!tpu.dma_semaphore, #tpu.memory_space<semaphore_mem>>)
      tpu.wait_dma2 semaphore(%run_scoped3A : memref<!tpu.dma_semaphore, #tpu.memory_space<semaphore_mem>>) src(%arg5 : memref<4096xf32, #tpu.memory_space<hbm>>) dst(%arg11 : memref<4096xf32, #tpu.memory_space<vmem>>)
      tpu.yield
    }) : () -> ()
    "tpu.region"() ({
      %run_scoped3A = tpu.sem_alloc : memref<!tpu.dma_semaphore, #tpu.memory_space<semaphore_mem>>
      tpu.enqueue_dma source(%arg6 : memref<4096xf32, #tpu.memory_space<hbm>>) target(%arg12 : memref<4096xf32, #tpu.memory_space<vmem>>) target_semaphore(%run_scoped3A : memref<!tpu.dma_semaphore, #tpu.memory_space<semaphore_mem>>)
      tpu.wait_dma2 semaphore(%run_scoped3A : memref<!tpu.dma_semaphore, #tpu.memory_space<semaphore_mem>>) src(%arg6 : memref<4096xf32, #tpu.memory_space<hbm>>) dst(%arg12 : memref<4096xf32, #tpu.memory_space<vmem>>)
      tpu.yield
    }) : () -> ()
    %iota3A = tpu.iota {dimensions = array<i32: 0>} : vector<16xi32>
    %scan3A = arith.constant 0 : i32
    %scan3A_3 = arith.constant 0 : i32
    %scan3A_4 = arith.constant 8 : i32
    %scan3A_5 = arith.addi %scan3A_3, %scan3A_4 : i32
    %scan3A_6 = arith.constant 1 : i32
    scf.for %scan3A_8 = %scan3A_3 to %scan3A_5 step %scan3A_6  : i32 {
      %mul3A_9 = arith.constant 16 : i32
      %mul3A_10 = arith.muli %scan3A_8, %mul3A_9 : i32
      %get3A = arith.index_cast %mul3A_10 : i32 to index
      %get3A_11 = tpu.vector_load %arg8[%get3A] {strides = array<i32>} : memref<128xf32, #tpu.memory_space<vmem>>, vector<16xf32>,
      %get3A_12 = vector.shape_cast %get3A_11 : vector<16xf32> to vector<16xf32>
      %get3A_13 = arith.index_cast %mul3A_10 : i32 to index
      %get3A_14 = tpu.vector_load %arg9[%get3A_13] {strides = array<i32>} : memref<128xf32, #tpu.memory_space<vmem>>, vector<16xf32>,
      %get3A_15 = vector.shape_cast %get3A_14 : vector<16xf32> to vector<16xf32>
      %broadcast_in_dim3A = arith.constant 0.000000e+00 : f32
      %broadcast_in_dim3A_16 = vector.broadcast %broadcast_in_dim3A : f32 to vector<16xf32>
      %slice3A = vector.extract_strided_slice %get3A_12 {offsets = [0], sizes = [1], strides = [1]} : vector<16xf32> to vector<1xf32>
      %squeeze3A = vector.extract %slice3A[0] : f32 from vector<1xf32>
      %slice3A_17 = vector.extract_strided_slice %get3A_12 {offsets = [1], sizes = [1], strides = [1]} : vector<16xf32> to vector<1xf32>
      %squeeze3A_18 = vector.extract %slice3A_17[0] : f32 from vector<1xf32>
      %slice3A_19 = vector.extract_strided_slice %get3A_12 {offsets = [2], sizes = [1], strides = [1]} : vector<16xf32> to vector<1xf32>
      %squeeze3A_20 = vector.extract %slice3A_19[0] : f32 from vector<1xf32>
      %slice3A_21 = vector.extract_strided_slice %get3A_12 {offsets = [3], sizes = [1], strides = [1]} : vector<16xf32> to vector<1xf32>
      %squeeze3A_22 = vector.extract %slice3A_21[0] : f32 from vector<1xf32>
      %slice3A_23 = vector.extract_strided_slice %get3A_12 {offsets = [4], sizes = [1], strides = [1]} : vector<16xf32> to vector<1xf32>
      %squeeze3A_24 = vector.extract %slice3A_23[0] : f32 from vector<1xf32>
      %slice3A_25 = vector.extract_strided_slice %get3A_12 {offsets = [5], sizes = [1], strides = [1]} : vector<16xf32> to vector<1xf32>
      %squeeze3A_26 = vector.extract %slice3A_25[0] : f32 from vector<1xf32>
      %slice3A_27 = vector.extract_strided_slice %get3A_12 {offsets = [6], sizes = [1], strides = [1]} : vector<16xf32> to vector<1xf32>
      %squeeze3A_28 = vector.extract %slice3A_27[0] : f32 from vector<1xf32>
      %slice3A_29 = vector.extract_strided_slice %get3A_12 {offsets = [7], sizes = [1], strides = [1]} : vector<16xf32> to vector<1xf32>
      %squeeze3A_30 = vector.extract %slice3A_29[0] : f32 from vector<1xf32>
      %slice3A_31 = vector.extract_strided_slice %get3A_15 {offsets = [0], sizes = [1], strides = [1]} : vector<16xf32> to vector<1xf32>
      %squeeze3A_32 = vector.extract %slice3A_31[0] : f32 from vector<1xf32>
      %slice3A_33 = vector.extract_strided_slice %get3A_15 {offsets = [1], sizes = [1], strides = [1]} : vector<16xf32> to vector<1xf32>
      %squeeze3A_34 = vector.extract %slice3A_33[0] : f32 from vector<1xf32>
      %slice3A_35 = vector.extract_strided_slice %get3A_15 {offsets = [2], sizes = [1], strides = [1]} : vector<16xf32> to vector<1xf32>
      %squeeze3A_36 = vector.extract %slice3A_35[0] : f32 from vector<1xf32>
      %slice3A_37 = vector.extract_strided_slice %get3A_15 {offsets = [3], sizes = [1], strides = [1]} : vector<16xf32> to vector<1xf32>
      %squeeze3A_38 = vector.extract %slice3A_37[0] : f32 from vector<1xf32>
      %slice3A_39 = vector.extract_strided_slice %get3A_15 {offsets = [4], sizes = [1], strides = [1]} : vector<16xf32> to vector<1xf32>
      %squeeze3A_40 = vector.extract %slice3A_39[0] : f32 from vector<1xf32>
      %slice3A_41 = vector.extract_strided_slice %get3A_15 {offsets = [5], sizes = [1], strides = [1]} : vector<16xf32> to vector<1xf32>
      %squeeze3A_42 = vector.extract %slice3A_41[0] : f32 from vector<1xf32>
      %slice3A_43 = vector.extract_strided_slice %get3A_15 {offsets = [6], sizes = [1], strides = [1]} : vector<16xf32> to vector<1xf32>
      %squeeze3A_44 = vector.extract %slice3A_43[0] : f32 from vector<1xf32>
      %slice3A_45 = vector.extract_strided_slice %get3A_15 {offsets = [7], sizes = [1], strides = [1]} : vector<16xf32> to vector<1xf32>
      %squeeze3A_46 = vector.extract %slice3A_45[0] : f32 from vector<1xf32>
      %mul3A_47 = arith.constant -2.000000e+00 : f32
      %mul3A_48 = arith.mulf %mul3A_47, %squeeze3A : f32
      %mul3A_49 = arith.constant -2.000000e+00 : f32
      %mul3A_50 = arith.mulf %mul3A_49, %squeeze3A_18 : f32
      %mul3A_51 = arith.constant -2.000000e+00 : f32
      %mul3A_52 = arith.mulf %mul3A_51, %squeeze3A_20 : f32
      %mul3A_53 = arith.constant -2.000000e+00 : f32
      %mul3A_54 = arith.mulf %mul3A_53, %squeeze3A_22 : f32
      %mul3A_55 = arith.constant -2.000000e+00 : f32
      %mul3A_56 = arith.mulf %mul3A_55, %squeeze3A_24 : f32
      %mul3A_57 = arith.constant -2.000000e+00 : f32
      %mul3A_58 = arith.mulf %mul3A_57, %squeeze3A_26 : f32
      %mul3A_59 = arith.constant -2.000000e+00 : f32
      %mul3A_60 = arith.mulf %mul3A_59, %squeeze3A_28 : f32
      %mul3A_61 = arith.constant -2.000000e+00 : f32
      %mul3A_62 = arith.mulf %mul3A_61, %squeeze3A_30 : f32
      %mul3A_63 = arith.constant -2.000000e+00 : f32
      %mul3A_64 = arith.mulf %mul3A_63, %squeeze3A_32 : f32
      %mul3A_65 = arith.constant -2.000000e+00 : f32
      %mul3A_66 = arith.mulf %mul3A_65, %squeeze3A_34 : f32
      %mul3A_67 = arith.constant -2.000000e+00 : f32
      %mul3A_68 = arith.mulf %mul3A_67, %squeeze3A_36 : f32
      %mul3A_69 = arith.constant -2.000000e+00 : f32
      %mul3A_70 = arith.mulf %mul3A_69, %squeeze3A_38 : f32
      %mul3A_71 = arith.constant -2.000000e+00 : f32
      %mul3A_72 = arith.mulf %mul3A_71, %squeeze3A_40 : f32
      %mul3A_73 = arith.constant -2.000000e+00 : f32
      %mul3A_74 = arith.mulf %mul3A_73, %squeeze3A_42 : f32
      %mul3A_75 = arith.constant -2.000000e+00 : f32
      %mul3A_76 = arith.mulf %mul3A_75, %squeeze3A_44 : f32
      %mul3A_77 = arith.constant -2.000000e+00 : f32
      %mul3A_78 = arith.mulf %mul3A_77, %squeeze3A_46 : f32
      %broadcast_in_dim3A_79 = arith.constant 3.000000e+38 : f32
      %broadcast_in_dim3A_80 = vector.broadcast %broadcast_in_dim3A_79 : f32 to vector<16xf32>
      %broadcast_in_dim3A_81 = arith.constant 3.000000e+38 : f32
      %broadcast_in_dim3A_82 = vector.broadcast %broadcast_in_dim3A_81 : f32 to vector<16xf32>
      %broadcast_in_dim3A_83 = arith.constant 3.000000e+38 : f32
      %broadcast_in_dim3A_84 = vector.broadcast %broadcast_in_dim3A_83 : f32 to vector<16xf32>
      %broadcast_in_dim3A_85 = arith.constant 3.000000e+38 : f32
      %broadcast_in_dim3A_86 = vector.broadcast %broadcast_in_dim3A_85 : f32 to vector<16xf32>
      %broadcast_in_dim3A_87 = arith.constant 3.000000e+38 : f32
      %broadcast_in_dim3A_88 = vector.broadcast %broadcast_in_dim3A_87 : f32 to vector<16xf32>
      %broadcast_in_dim3A_89 = arith.constant 3.000000e+38 : f32
      %broadcast_in_dim3A_90 = vector.broadcast %broadcast_in_dim3A_89 : f32 to vector<16xf32>
      %broadcast_in_dim3A_91 = arith.constant 3.000000e+38 : f32
      %broadcast_in_dim3A_92 = vector.broadcast %broadcast_in_dim3A_91 : f32 to vector<16xf32>
      %broadcast_in_dim3A_93 = arith.constant 3.000000e+38 : f32
      %broadcast_in_dim3A_94 = vector.broadcast %broadcast_in_dim3A_93 : f32 to vector<16xf32>
      %scan3A_95 = arith.constant 0 : i32
      %scan3A_96 = arith.constant 256 : i32
      %scan3A_97 = arith.addi %scan3A_95, %scan3A_96 : i32
      %scan3A_98 = arith.constant 2 : i32
      %scan3A_99:8 = scf.for %scan3A_1224 = %scan3A_95 to %scan3A_97 step %scan3A_98 iter_args(%scan3A_1225 = %broadcast_in_dim3A_80, %scan3A_1226 = %broadcast_in_dim3A_82, %scan3A_1227 = %broadcast_in_dim3A_84, %scan3A_1228 = %broadcast_in_dim3A_86, %scan3A_1229 = %broadcast_in_dim3A_88, %scan3A_1230 = %broadcast_in_dim3A_90, %scan3A_1231 = %broadcast_in_dim3A_92, %scan3A_1232 = %broadcast_in_dim3A_94) -> (vector<16xf32>, vector<16xf32>, vector<16xf32>, vector<16xf32>, vector<16xf32>, vector<16xf32>, vector<16xf32>, vector<16xf32>)  : i32 {
        %mul3A_1233 = arith.constant 16 : i32
        %mul3A_1234 = arith.muli %scan3A_1224, %mul3A_1233 : i32
        %get3A_1235 = arith.index_cast %mul3A_1234 : i32 to index
        %get3A_1236 = tpu.vector_load %arg10[%get3A_1235] {strides = array<i32>} : memref<4096xf32, #tpu.memory_space<vmem>>, vector<16xf32>,
        %get3A_1237 = vector.shape_cast %get3A_1236 : vector<16xf32> to vector<16xf32>
        %get3A_1238 = arith.index_cast %mul3A_1234 : i32 to index
        %get3A_1239 = tpu.vector_load %arg11[%get3A_1238] {strides = array<i32>} : memref<4096xf32, #tpu.memory_space<vmem>>, vector<16xf32>,
        %get3A_1240 = vector.shape_cast %get3A_1239 : vector<16xf32> to vector<16xf32>
        %get3A_1241 = arith.index_cast %mul3A_1234 : i32 to index
        %get3A_1242 = tpu.vector_load %arg12[%get3A_1241] {strides = array<i32>} : memref<4096xf32, #tpu.memory_space<vmem>>, vector<16xf32>,
        %get3A_1243 = vector.shape_cast %get3A_1242 : vector<16xf32> to vector<16xf32>
        %mul3A_1244 = vector.broadcast %mul3A_48 : f32 to vector<16xf32>
        %mul3A_1245 = arith.mulf %mul3A_1244, %get3A_1237 : vector<16xf32>
        %mul3A_1246 = vector.broadcast %mul3A_64 : f32 to vector<16xf32>
        %mul3A_1247 = arith.mulf %mul3A_1246, %get3A_1240 : vector<16xf32>
        %add3A_1248 = arith.addf %mul3A_1247, %get3A_1243 : vector<16xf32>
        %add3A_1249 = arith.addf %mul3A_1245, %add3A_1248 : vector<16xf32>
        %min3A_1250 = arith.minimumf %scan3A_1225, %add3A_1249 : vector<16xf32>
        %mul3A_1251 = vector.broadcast %mul3A_50 : f32 to vector<16xf32>
        %mul3A_1252 = arith.mulf %mul3A_1251, %get3A_1237 : vector<16xf32>
        %mul3A_1253 = vector.broadcast %mul3A_66 : f32 to vector<16xf32>
        %mul3A_1254 = arith.mulf %mul3A_1253, %get3A_1240 : vector<16xf32>
        %add3A_1255 = arith.addf %mul3A_1254, %get3A_1243 : vector<16xf32>
        %add3A_1256 = arith.addf %mul3A_1252, %add3A_1255 : vector<16xf32>
        %min3A_1257 = arith.minimumf %scan3A_1226, %add3A_1256 : vector<16xf32>
        %mul3A_1258 = vector.broadcast %mul3A_52 : f32 to vector<16xf32>
        %mul3A_1259 = arith.mulf %mul3A_1258, %get3A_1237 : vector<16xf32>
        %mul3A_1260 = vector.broadcast %mul3A_68 : f32 to vector<16xf32>
        %mul3A_1261 = arith.mulf %mul3A_1260, %get3A_1240 : vector<16xf32>
        %add3A_1262 = arith.addf %mul3A_1261, %get3A_1243 : vector<16xf32>
        %add3A_1263 = arith.addf %mul3A_1259, %add3A_1262 : vector<16xf32>
        %min3A_1264 = arith.minimumf %scan3A_1227, %add3A_1263 : vector<16xf32>
        %mul3A_1265 = vector.broadcast %mul3A_54 : f32 to vector<16xf32>
        %mul3A_1266 = arith.mulf %mul3A_1265, %get3A_1237 : vector<16xf32>
        %mul3A_1267 = vector.broadcast %mul3A_70 : f32 to vector<16xf32>
        %mul3A_1268 = arith.mulf %mul3A_1267, %get3A_1240 : vector<16xf32>
        %add3A_1269 = arith.addf %mul3A_1268, %get3A_1243 : vector<16xf32>
        %add3A_1270 = arith.addf %mul3A_1266, %add3A_1269 : vector<16xf32>
        %min3A_1271 = arith.minimumf %scan3A_1228, %add3A_1270 : vector<16xf32>
        %mul3A_1272 = vector.broadcast %mul3A_56 : f32 to vector<16xf32>
        %mul3A_1273 = arith.mulf %mul3A_1272, %get3A_1237 : vector<16xf32>
        %mul3A_1274 = vector.broadcast %mul3A_72 : f32 to vector<16xf32>
        %mul3A_1275 = arith.mulf %mul3A_1274, %get3A_1240 : vector<16xf32>
        %add3A_1276 = arith.addf %mul3A_1275, %get3A_1243 : vector<16xf32>
        %add3A_1277 = arith.addf %mul3A_1273, %add3A_1276 : vector<16xf32>
        %min3A_1278 = arith.minimumf %scan3A_1229, %add3A_1277 : vector<16xf32>
        %mul3A_1279 = vector.broadcast %mul3A_58 : f32 to vector<16xf32>
        %mul3A_1280 = arith.mulf %mul3A_1279, %get3A_1237 : vector<16xf32>
        %mul3A_1281 = vector.broadcast %mul3A_74 : f32 to vector<16xf32>
        %mul3A_1282 = arith.mulf %mul3A_1281, %get3A_1240 : vector<16xf32>
        %add3A_1283 = arith.addf %mul3A_1282, %get3A_1243 : vector<16xf32>
        %add3A_1284 = arith.addf %mul3A_1280, %add3A_1283 : vector<16xf32>
        %min3A_1285 = arith.minimumf %scan3A_1230, %add3A_1284 : vector<16xf32>
        %mul3A_1286 = vector.broadcast %mul3A_60 : f32 to vector<16xf32>
        %mul3A_1287 = arith.mulf %mul3A_1286, %get3A_1237 : vector<16xf32>
        %mul3A_1288 = vector.broadcast %mul3A_76 : f32 to vector<16xf32>
        %mul3A_1289 = arith.mulf %mul3A_1288, %get3A_1240 : vector<16xf32>
        %add3A_1290 = arith.addf %mul3A_1289, %get3A_1243 : vector<16xf32>
        %add3A_1291 = arith.addf %mul3A_1287, %add3A_1290 : vector<16xf32>
        %min3A_1292 = arith.minimumf %scan3A_1231, %add3A_1291 : vector<16xf32>
        %mul3A_1293 = vector.broadcast %mul3A_62 : f32 to vector<16xf32>
        %mul3A_1294 = arith.mulf %mul3A_1293, %get3A_1237 : vector<16xf32>
        %mul3A_1295 = vector.broadcast %mul3A_78 : f32 to vector<16xf32>
        %mul3A_1296 = arith.mulf %mul3A_1295, %get3A_1240 : vector<16xf32>
        %add3A_1297 = arith.addf %mul3A_1296, %get3A_1243 : vector<16xf32>
        %add3A_1298 = arith.addf %mul3A_1294, %add3A_1297 : vector<16xf32>
        %min3A_1299 = arith.minimumf %scan3A_1232, %add3A_1298 : vector<16xf32>
        %scan3A_1300 = arith.constant 1 : i32
        %scan3A_1301 = arith.addi %scan3A_1224, %scan3A_1300 : i32
        %mul3A_1302 = arith.constant 16 : i32
        %mul3A_1303 = arith.muli %scan3A_1301, %mul3A_1302 : i32
        %get3A_1304 = arith.index_cast %mul3A_1303 : i32 to index
        %get3A_1305 = tpu.vector_load %arg10[%get3A_1304] {strides = array<i32>} : memref<4096xf32, #tpu.memory_space<vmem>>, vector<16xf32>,
        %get3A_1306 = vector.shape_cast %get3A_1305 : vector<16xf32> to vector<16xf32>
        %get3A_1307 = arith.index_cast %mul3A_1303 : i32 to index
        %get3A_1308 = tpu.vector_load %arg11[%get3A_1307] {strides = array<i32>} : memref<4096xf32, #tpu.memory_space<vmem>>, vector<16xf32>,
        %get3A_1309 = vector.shape_cast %get3A_1308 : vector<16xf32> to vector<16xf32>
        %get3A_1310 = arith.index_cast %mul3A_1303 : i32 to index
        %get3A_1311 = tpu.vector_load %arg12[%get3A_1310] {strides = array<i32>} : memref<4096xf32, #tpu.memory_space<vmem>>, vector<16xf32>,
        %get3A_1312 = vector.shape_cast %get3A_1311 : vector<16xf32> to vector<16xf32>
        %mul3A_1313 = vector.broadcast %mul3A_48 : f32 to vector<16xf32>
        %mul3A_1314 = arith.mulf %mul3A_1313, %get3A_1306 : vector<16xf32>
        %mul3A_1315 = vector.broadcast %mul3A_64 : f32 to vector<16xf32>
        %mul3A_1316 = arith.mulf %mul3A_1315, %get3A_1309 : vector<16xf32>
        %add3A_1317 = arith.addf %mul3A_1316, %get3A_1312 : vector<16xf32>
        %add3A_1318 = arith.addf %mul3A_1314, %add3A_1317 : vector<16xf32>
        %min3A_1319 = arith.minimumf %min3A_1250, %add3A_1318 : vector<16xf32>
        %mul3A_1320 = vector.broadcast %mul3A_50 : f32 to vector<16xf32>
        %mul3A_1321 = arith.mulf %mul3A_1320, %get3A_1306 : vector<16xf32>
        %mul3A_1322 = vector.broadcast %mul3A_66 : f32 to vector<16xf32>
        %mul3A_1323 = arith.mulf %mul3A_1322, %get3A_1309 : vector<16xf32>
        %add3A_1324 = arith.addf %mul3A_1323, %get3A_1312 : vector<16xf32>
        %add3A_1325 = arith.addf %mul3A_1321, %add3A_1324 : vector<16xf32>
        %min3A_1326 = arith.minimumf %min3A_1257, %add3A_1325 : vector<16xf32>
        %mul3A_1327 = vector.broadcast %mul3A_52 : f32 to vector<16xf32>
        %mul3A_1328 = arith.mulf %mul3A_1327, %get3A_1306 : vector<16xf32>
        %mul3A_1329 = vector.broadcast %mul3A_68 : f32 to vector<16xf32>
        %mul3A_1330 = arith.mulf %mul3A_1329, %get3A_1309 : vector<16xf32>
        %add3A_1331 = arith.addf %mul3A_1330, %get3A_1312 : vector<16xf32>
        %add3A_1332 = arith.addf %mul3A_1328, %add3A_1331 : vector<16xf32>
        %min3A_1333 = arith.minimumf %min3A_1264, %add3A_1332 : vector<16xf32>
        %mul3A_1334 = vector.broadcast %mul3A_54 : f32 to vector<16xf32>
        %mul3A_1335 = arith.mulf %mul3A_1334, %get3A_1306 : vector<16xf32>
        %mul3A_1336 = vector.broadcast %mul3A_70 : f32 to vector<16xf32>
        %mul3A_1337 = arith.mulf %mul3A_1336, %get3A_1309 : vector<16xf32>
        %add3A_1338 = arith.addf %mul3A_1337, %get3A_1312 : vector<16xf32>
        %add3A_1339 = arith.addf %mul3A_1335, %add3A_1338 : vector<16xf32>
        %min3A_1340 = arith.minimumf %min3A_1271, %add3A_1339 : vector<16xf32>
        %mul3A_1341 = vector.broadcast %mul3A_56 : f32 to vector<16xf32>
        %mul3A_1342 = arith.mulf %mul3A_1341, %get3A_1306 : vector<16xf32>
        %mul3A_1343 = vector.broadcast %mul3A_72 : f32 to vector<16xf32>
        %mul3A_1344 = arith.mulf %mul3A_1343, %get3A_1309 : vector<16xf32>
        %add3A_1345 = arith.addf %mul3A_1344, %get3A_1312 : vector<16xf32>
        %add3A_1346 = arith.addf %mul3A_1342, %add3A_1345 : vector<16xf32>
        %min3A_1347 = arith.minimumf %min3A_1278, %add3A_1346 : vector<16xf32>
        %mul3A_1348 = vector.broadcast %mul3A_58 : f32 to vector<16xf32>
        %mul3A_1349 = arith.mulf %mul3A_1348, %get3A_1306 : vector<16xf32>
        %mul3A_1350 = vector.broadcast %mul3A_74 : f32 to vector<16xf32>
        %mul3A_1351 = arith.mulf %mul3A_1350, %get3A_1309 : vector<16xf32>
        %add3A_1352 = arith.addf %mul3A_1351, %get3A_1312 : vector<16xf32>
        %add3A_1353 = arith.addf %mul3A_1349, %add3A_1352 : vector<16xf32>
        %min3A_1354 = arith.minimumf %min3A_1285, %add3A_1353 : vector<16xf32>
        %mul3A_1355 = vector.broadcast %mul3A_60 : f32 to vector<16xf32>
        %mul3A_1356 = arith.mulf %mul3A_1355, %get3A_1306 : vector<16xf32>
        %mul3A_1357 = vector.broadcast %mul3A_76 : f32 to vector<16xf32>
        %mul3A_1358 = arith.mulf %mul3A_1357, %get3A_1309 : vector<16xf32>
        %add3A_1359 = arith.addf %mul3A_1358, %get3A_1312 : vector<16xf32>
        %add3A_1360 = arith.addf %mul3A_1356, %add3A_1359 : vector<16xf32>
        %min3A_1361 = arith.minimumf %min3A_1292, %add3A_1360 : vector<16xf32>
        %mul3A_1362 = vector.broadcast %mul3A_62 : f32 to vector<16xf32>
        %mul3A_1363 = arith.mulf %mul3A_1362, %get3A_1306 : vector<16xf32>
        %mul3A_1364 = vector.broadcast %mul3A_78 : f32 to vector<16xf32>
        %mul3A_1365 = arith.mulf %mul3A_1364, %get3A_1309 : vector<16xf32>
        %add3A_1366 = arith.addf %mul3A_1365, %get3A_1312 : vector<16xf32>
        %add3A_1367 = arith.addf %mul3A_1363, %add3A_1366 : vector<16xf32>
        %min3A_1368 = arith.minimumf %min3A_1299, %add3A_1367 : vector<16xf32>
        scf.yield %min3A_1319, %min3A_1326, %min3A_1333, %min3A_1340, %min3A_1347, %min3A_1354, %min3A_1361, %min3A_1368 : vector<16xf32>, vector<16xf32>, vector<16xf32>, vector<16xf32>, vector<16xf32>, vector<16xf32>, vector<16xf32>, vector<16xf32>
      }
      %scan3A_100 = arith.constant 256 : i32
      %xor3A = arith.constant 1 : i32
      %xor3A_101 = vector.broadcast %xor3A : i32 to vector<16xi32>
      %xor3A_102 = arith.xori %iota3A, %xor3A_101 : vector<16xi32>
      %lt3A = arith.constant 0 : i32
      %lt3A_103 = vector.broadcast %lt3A : i32 to vector<16xi32>
      %lt3A_104 = arith.cmpi slt, %xor3A_102, %lt3A_103 : vector<16xi32>
      %add3A_105 = arith.constant 16 : i32
      %add3A_106 = vector.broadcast %add3A_105 : i32 to vector<16xi32>
      %add3A_107 = arith.addi %xor3A_102, %add3A_106 : vector<16xi32>
      %select_n3A = arith.select %lt3A_104, %add3A_107, %xor3A_102 : vector<16xi1>, vector<16xi32>
      %broadcast_in_dim3A_108 = vector.shape_cast %select_n3A : vector<16xi32> to vector<16x1xi32>
      %gather3A = vector.shape_cast %broadcast_in_dim3A_108 : vector<16x1xi32> to vector<16xi32>
      %gather3A_109 = tpu.dynamic_gather %scan3A_99#0[%gather3A] in [0] : vector<16xf32>, vector<16xi32> -> vector<16xf32>
      %min3A = arith.minimumf %scan3A_99#0, %gather3A_109 : vector<16xf32>
      %xor3A_110 = arith.constant 2 : i32
      %xor3A_111 = vector.broadcast %xor3A_110 : i32 to vector<16xi32>
      %xor3A_112 = arith.xori %iota3A, %xor3A_111 : vector<16xi32>
      %lt3A_113 = arith.constant 0 : i32
      %lt3A_114 = vector.broadcast %lt3A_113 : i32 to vector<16xi32>
      %lt3A_115 = arith.cmpi slt, %xor3A_112, %lt3A_114 : vector<16xi32>
      %add3A_116 = arith.constant 16 : i32
      %add3A_117 = vector.broadcast %add3A_116 : i32 to vector<16xi32>
      %add3A_118 = arith.addi %xor3A_112, %add3A_117 : vector<16xi32>
      %select_n3A_119 = arith.select %lt3A_115, %add3A_118, %xor3A_112 : vector<16xi1>, vector<16xi32>
      %broadcast_in_dim3A_120 = vector.shape_cast %select_n3A_119 : vector<16xi32> to vector<16x1xi32>
      %gather3A_121 = vector.shape_cast %broadcast_in_dim3A_120 : vector<16x1xi32> to vector<16xi32>
      %gather3A_122 = tpu.dynamic_gather %min3A[%gather3A_121] in [0] : vector<16xf32>, vector<16xi32> -> vector<16xf32>
      %min3A_123 = arith.minimumf %min3A, %gather3A_122 : vector<16xf32>
      %xor3A_124 = arith.constant 4 : i32
      %xor3A_125 = vector.broadcast %xor3A_124 : i32 to vector<16xi32>
      %xor3A_126 = arith.xori %iota3A, %xor3A_125 : vector<16xi32>
      %lt3A_127 = arith.constant 0 : i32
      %lt3A_128 = vector.broadcast %lt3A_127 : i32 to vector<16xi32>
      %lt3A_129 = arith.cmpi slt, %xor3A_126, %lt3A_128 : vector<16xi32>
      %add3A_130 = arith.constant 16 : i32
      %add3A_131 = vector.broadcast %add3A_130 : i32 to vector<16xi32>
      %add3A_132 = arith.addi %xor3A_126, %add3A_131 : vector<16xi32>
      %select_n3A_133 = arith.select %lt3A_129, %add3A_132, %xor3A_126 : vector<16xi1>, vector<16xi32>
      %broadcast_in_dim3A_134 = vector.shape_cast %select_n3A_133 : vector<16xi32> to vector<16x1xi32>
      %gather3A_135 = vector.shape_cast %broadcast_in_dim3A_134 : vector<16x1xi32> to vector<16xi32>
      %gather3A_136 = tpu.dynamic_gather %min3A_123[%gather3A_135] in [0] : vector<16xf32>, vector<16xi32> -> vector<16xf32>
      %min3A_137 = arith.minimumf %min3A_123, %gather3A_136 : vector<16xf32>
      %xor3A_138 = arith.constant 8 : i32
      %xor3A_139 = vector.broadcast %xor3A_138 : i32 to vector<16xi32>
      %xor3A_140 = arith.xori %iota3A, %xor3A_139 : vector<16xi32>
      %lt3A_141 = arith.constant 0 : i32
      %lt3A_142 = vector.broadcast %lt3A_141 : i32 to vector<16xi32>
      %lt3A_143 = arith.cmpi slt, %xor3A_140, %lt3A_142 : vector<16xi32>
      %add3A_144 = arith.constant 16 : i32
      %add3A_145 = vector.broadcast %add3A_144 : i32 to vector<16xi32>
      %add3A_146 = arith.addi %xor3A_140, %add3A_145 : vector<16xi32>
      %select_n3A_147 = arith.select %lt3A_143, %add3A_146, %xor3A_140 : vector<16xi1>, vector<16xi32>
      %broadcast_in_dim3A_148 = vector.shape_cast %select_n3A_147 : vector<16xi32> to vector<16x1xi32>
      %gather3A_149 = vector.shape_cast %broadcast_in_dim3A_148 : vector<16x1xi32> to vector<16xi32>
      %gather3A_150 = tpu.dynamic_gather %min3A_137[%gather3A_149] in [0] : vector<16xf32>, vector<16xi32> -> vector<16xf32>
      %min3A_151 = arith.minimumf %min3A_137, %gather3A_150 : vector<16xf32>
      %mul3A_152 = arith.mulf %squeeze3A, %squeeze3A : f32
      %mul3A_153 = arith.mulf %squeeze3A_32, %squeeze3A_32 : f32
      %add3A_154 = arith.addf %mul3A_152, %mul3A_153 : f32
      %add3A_155 = vector.broadcast %add3A_154 : f32 to vector<16xf32>
      %add3A_156 = arith.addf %min3A_151, %add3A_155 : vector<16xf32>
      %eq3A = arith.constant 0 : i32
      %eq3A_157 = vector.broadcast %eq3A : i32 to vector<16xi32>
      %eq3A_158 = arith.cmpi eq, %iota3A, %eq3A_157 : vector<16xi32>
      %select_n3A_159 = arith.select %eq3A_158, %add3A_156, %broadcast_in_dim3A_16 : vector<16xi1>, vector<16xf32>
      %xor3A_160 = arith.constant 1 : i32
      %xor3A_161 = vector.broadcast %xor3A_160 : i32 to vector<16xi32>
      %xor3A_162 = arith.xori %iota3A, %xor3A_161 : vector<16xi32>
      %lt3A_163 = arith.constant 0 : i32
      %lt3A_164 = vector.broadcast %lt3A_163 : i32 to vector<16xi32>
      %lt3A_165 = arith.cmpi slt, %xor3A_162, %lt3A_164 : vector<16xi32>
      %add3A_166 = arith.constant 16 : i32
      %add3A_167 = vector.broadcast %add3A_166 : i32 to vector<16xi32>
      %add3A_168 = arith.addi %xor3A_162, %add3A_167 : vector<16xi32>
      %select_n3A_169 = arith.select %lt3A_165, %add3A_168, %xor3A_162 : vector<16xi1>, vector<16xi32>
      %broadcast_in_dim3A_170 = vector.shape_cast %select_n3A_169 : vector<16xi32> to vector<16x1xi32>
      %gather3A_171 = vector.shape_cast %broadcast_in_dim3A_170 : vector<16x1xi32> to vector<16xi32>
      %gather3A_172 = tpu.dynamic_gather %scan3A_99#1[%gather3A_171] in [0] : vector<16xf32>, vector<16xi32> -> vector<16xf32>
      %min3A_173 = arith.minimumf %scan3A_99#1, %gather3A_172 : vector<16xf32>
      %xor3A_174 = arith.constant 2 : i32
      %xor3A_175 = vector.broadcast %xor3A_174 : i32 to vector<16xi32>
      %xor3A_176 = arith.xori %iota3A, %xor3A_175 : vector<16xi32>
      %lt3A_177 = arith.constant 0 : i32
      %lt3A_178 = vector.broadcast %lt3A_177 : i32 to vector<16xi32>
      %lt3A_179 = arith.cmpi slt, %xor3A_176, %lt3A_178 : vector<16xi32>
      %add3A_180 = arith.constant 16 : i32
      %add3A_181 = vector.broadcast %add3A_180 : i32 to vector<16xi32>
      %add3A_182 = arith.addi %xor3A_176, %add3A_181 : vector<16xi32>
      %select_n3A_183 = arith.select %lt3A_179, %add3A_182, %xor3A_176 : vector<16xi1>, vector<16xi32>
      %broadcast_in_dim3A_184 = vector.shape_cast %select_n3A_183 : vector<16xi32> to vector<16x1xi32>
      %gather3A_185 = vector.shape_cast %broadcast_in_dim3A_184 : vector<16x1xi32> to vector<16xi32>
      %gather3A_186 = tpu.dynamic_gather %min3A_173[%gather3A_185] in [0] : vector<16xf32>, vector<16xi32> -> vector<16xf32>
      %min3A_187 = arith.minimumf %min3A_173, %gather3A_186 : vector<16xf32>
      %xor3A_188 = arith.constant 4 : i32
      %xor3A_189 = vector.broadcast %xor3A_188 : i32 to vector<16xi32>
      %xor3A_190 = arith.xori %iota3A, %xor3A_189 : vector<16xi32>
      %lt3A_191 = arith.constant 0 : i32
      %lt3A_192 = vector.broadcast %lt3A_191 : i32 to vector<16xi32>
      %lt3A_193 = arith.cmpi slt, %xor3A_190, %lt3A_192 : vector<16xi32>
      %add3A_194 = arith.constant 16 : i32
      %add3A_195 = vector.broadcast %add3A_194 : i32 to vector<16xi32>
      %add3A_196 = arith.addi %xor3A_190, %add3A_195 : vector<16xi32>
      %select_n3A_197 = arith.select %lt3A_193, %add3A_196, %xor3A_190 : vector<16xi1>, vector<16xi32>
      %broadcast_in_dim3A_198 = vector.shape_cast %select_n3A_197 : vector<16xi32> to vector<16x1xi32>
      %gather3A_199 = vector.shape_cast %broadcast_in_dim3A_198 : vector<16x1xi32> to vector<16xi32>
      %gather3A_200 = tpu.dynamic_gather %min3A_187[%gather3A_199] in [0] : vector<16xf32>, vector<16xi32> -> vector<16xf32>
      %min3A_201 = arith.minimumf %min3A_187, %gather3A_200 : vector<16xf32>
      %xor3A_202 = arith.constant 8 : i32
      %xor3A_203 = vector.broadcast %xor3A_202 : i32 to vector<16xi32>
      %xor3A_204 = arith.xori %iota3A, %xor3A_203 : vector<16xi32>
      %lt3A_205 = arith.constant 0 : i32
      %lt3A_206 = vector.broadcast %lt3A_205 : i32 to vector<16xi32>
      %lt3A_207 = arith.cmpi slt, %xor3A_204, %lt3A_206 : vector<16xi32>
      %add3A_208 = arith.constant 16 : i32
      %add3A_209 = vector.broadcast %add3A_208 : i32 to vector<16xi32>
      %add3A_210 = arith.addi %xor3A_204, %add3A_209 : vector<16xi32>
      %select_n3A_211 = arith.select %lt3A_207, %add3A_210, %xor3A_204 : vector<16xi1>, vector<16xi32>
      %broadcast_in_dim3A_212 = vector.shape_cast %select_n3A_211 : vector<16xi32> to vector<16x1xi32>
      %gather3A_213 = vector.shape_cast %broadcast_in_dim3A_212 : vector<16x1xi32> to vector<16xi32>
      %gather3A_214 = tpu.dynamic_gather %min3A_201[%gather3A_213] in [0] : vector<16xf32>, vector<16xi32> -> vector<16xf32>
      %min3A_215 = arith.minimumf %min3A_201, %gather3A_214 : vector<16xf32>
      %mul3A_216 = arith.mulf %squeeze3A_18, %squeeze3A_18 : f32
      %mul3A_217 = arith.mulf %squeeze3A_34, %squeeze3A_34 : f32
      %add3A_218 = arith.addf %mul3A_216, %mul3A_217 : f32
      %add3A_219 = vector.broadcast %add3A_218 : f32 to vector<16xf32>
      %add3A_220 = arith.addf %min3A_215, %add3A_219 : vector<16xf32>
      %eq3A_221 = arith.constant 1 : i32
      %eq3A_222 = vector.broadcast %eq3A_221 : i32 to vector<16xi32>
      %eq3A_223 = arith.cmpi eq, %iota3A, %eq3A_222 : vector<16xi32>
      %select_n3A_224 = arith.select %eq3A_223, %add3A_220, %select_n3A_159 : vector<16xi1>, vector<16xf32>
      %xor3A_225 = arith.constant 1 : i32
      %xor3A_226 = vector.broadcast %xor3A_225 : i32 to vector<16xi32>
      %xor3A_227 = arith.xori %iota3A, %xor3A_226 : vector<16xi32>
      %lt3A_228 = arith.constant 0 : i32
      %lt3A_229 = vector.broadcast %lt3A_228 : i32 to vector<16xi32>
      %lt3A_230 = arith.cmpi slt, %xor3A_227, %lt3A_229 : vector<16xi32>
      %add3A_231 = arith.constant 16 : i32
      %add3A_232 = vector.broadcast %add3A_231 : i32 to vector<16xi32>
      %add3A_233 = arith.addi %xor3A_227, %add3A_232 : vector<16xi32>
      %select_n3A_234 = arith.select %lt3A_230, %add3A_233, %xor3A_227 : vector<16xi1>, vector<16xi32>
      %broadcast_in_dim3A_235 = vector.shape_cast %select_n3A_234 : vector<16xi32> to vector<16x1xi32>
      %gather3A_236 = vector.shape_cast %broadcast_in_dim3A_235 : vector<16x1xi32> to vector<16xi32>
      %gather3A_237 = tpu.dynamic_gather %scan3A_99#2[%gather3A_236] in [0] : vector<16xf32>, vector<16xi32> -> vector<16xf32>
      %min3A_238 = arith.minimumf %scan3A_99#2, %gather3A_237 : vector<16xf32>
      %xor3A_239 = arith.constant 2 : i32
      %xor3A_240 = vector.broadcast %xor3A_239 : i32 to vector<16xi32>
      %xor3A_241 = arith.xori %iota3A, %xor3A_240 : vector<16xi32>
      %lt3A_242 = arith.constant 0 : i32
      %lt3A_243 = vector.broadcast %lt3A_242 : i32 to vector<16xi32>
      %lt3A_244 = arith.cmpi slt, %xor3A_241, %lt3A_243 : vector<16xi32>
      %add3A_245 = arith.constant 16 : i32
      %add3A_246 = vector.broadcast %add3A_245 : i32 to vector<16xi32>
      %add3A_247 = arith.addi %xor3A_241, %add3A_246 : vector<16xi32>
      %select_n3A_248 = arith.select %lt3A_244, %add3A_247, %xor3A_241 : vector<16xi1>, vector<16xi32>
      %broadcast_in_dim3A_249 = vector.shape_cast %select_n3A_248 : vector<16xi32> to vector<16x1xi32>
      %gather3A_250 = vector.shape_cast %broadcast_in_dim3A_249 : vector<16x1xi32> to vector<16xi32>
      %gather3A_251 = tpu.dynamic_gather %min3A_238[%gather3A_250] in [0] : vector<16xf32>, vector<16xi32> -> vector<16xf32>
      %min3A_252 = arith.minimumf %min3A_238, %gather3A_251 : vector<16xf32>
      %xor3A_253 = arith.constant 4 : i32
      %xor3A_254 = vector.broadcast %xor3A_253 : i32 to vector<16xi32>
      %xor3A_255 = arith.xori %iota3A, %xor3A_254 : vector<16xi32>
      %lt3A_256 = arith.constant 0 : i32
      %lt3A_257 = vector.broadcast %lt3A_256 : i32 to vector<16xi32>
      %lt3A_258 = arith.cmpi slt, %xor3A_255, %lt3A_257 : vector<16xi32>
      %add3A_259 = arith.constant 16 : i32
      %add3A_260 = vector.broadcast %add3A_259 : i32 to vector<16xi32>
      %add3A_261 = arith.addi %xor3A_255, %add3A_260 : vector<16xi32>
      %select_n3A_262 = arith.select %lt3A_258, %add3A_261, %xor3A_255 : vector<16xi1>, vector<16xi32>
      %broadcast_in_dim3A_263 = vector.shape_cast %select_n3A_262 : vector<16xi32> to vector<16x1xi32>
      %gather3A_264 = vector.shape_cast %broadcast_in_dim3A_263 : vector<16x1xi32> to vector<16xi32>
      %gather3A_265 = tpu.dynamic_gather %min3A_252[%gather3A_264] in [0] : vector<16xf32>, vector<16xi32> -> vector<16xf32>
      %min3A_266 = arith.minimumf %min3A_252, %gather3A_265 : vector<16xf32>
      %xor3A_267 = arith.constant 8 : i32
      %xor3A_268 = vector.broadcast %xor3A_267 : i32 to vector<16xi32>
      %xor3A_269 = arith.xori %iota3A, %xor3A_268 : vector<16xi32>
      %lt3A_270 = arith.constant 0 : i32
      %lt3A_271 = vector.broadcast %lt3A_270 : i32 to vector<16xi32>
      %lt3A_272 = arith.cmpi slt, %xor3A_269, %lt3A_271 : vector<16xi32>
      %add3A_273 = arith.constant 16 : i32
      %add3A_274 = vector.broadcast %add3A_273 : i32 to vector<16xi32>
      %add3A_275 = arith.addi %xor3A_269, %add3A_274 : vector<16xi32>
      %select_n3A_276 = arith.select %lt3A_272, %add3A_275, %xor3A_269 : vector<16xi1>, vector<16xi32>
      %broadcast_in_dim3A_277 = vector.shape_cast %select_n3A_276 : vector<16xi32> to vector<16x1xi32>
      %gather3A_278 = vector.shape_cast %broadcast_in_dim3A_277 : vector<16x1xi32> to vector<16xi32>
      %gather3A_279 = tpu.dynamic_gather %min3A_266[%gather3A_278] in [0] : vector<16xf32>, vector<16xi32> -> vector<16xf32>
      %min3A_280 = arith.minimumf %min3A_266, %gather3A_279 : vector<16xf32>
      %mul3A_281 = arith.mulf %squeeze3A_20, %squeeze3A_20 : f32
      %mul3A_282 = arith.mulf %squeeze3A_36, %squeeze3A_36 : f32
      %add3A_283 = arith.addf %mul3A_281, %mul3A_282 : f32
      %add3A_284 = vector.broadcast %add3A_283 : f32 to vector<16xf32>
      %add3A_285 = arith.addf %min3A_280, %add3A_284 : vector<16xf32>
      %eq3A_286 = arith.constant 2 : i32
      %eq3A_287 = vector.broadcast %eq3A_286 : i32 to vector<16xi32>
      %eq3A_288 = arith.cmpi eq, %iota3A, %eq3A_287 : vector<16xi32>
      %select_n3A_289 = arith.select %eq3A_288, %add3A_285, %select_n3A_224 : vector<16xi1>, vector<16xf32>
      %xor3A_290 = arith.constant 1 : i32
      %xor3A_291 = vector.broadcast %xor3A_290 : i32 to vector<16xi32>
      %xor3A_292 = arith.xori %iota3A, %xor3A_291 : vector<16xi32>
      %lt3A_293 = arith.constant 0 : i32
      %lt3A_294 = vector.broadcast %lt3A_293 : i32 to vector<16xi32>
      %lt3A_295 = arith.cmpi slt, %xor3A_292, %lt3A_294 : vector<16xi32>
      %add3A_296 = arith.constant 16 : i32
      %add3A_297 = vector.broadcast %add3A_296 : i32 to vector<16xi32>
      %add3A_298 = arith.addi %xor3A_292, %add3A_297 : vector<16xi32>
      %select_n3A_299 = arith.select %lt3A_295, %add3A_298, %xor3A_292 : vector<16xi1>, vector<16xi32>
      %broadcast_in_dim3A_300 = vector.shape_cast %select_n3A_299 : vector<16xi32> to vector<16x1xi32>
      %gather3A_301 = vector.shape_cast %broadcast_in_dim3A_300 : vector<16x1xi32> to vector<16xi32>
      %gather3A_302 = tpu.dynamic_gather %scan3A_99#3[%gather3A_301] in [0] : vector<16xf32>, vector<16xi32> -> vector<16xf32>
      %min3A_303 = arith.minimumf %scan3A_99#3, %gather3A_302 : vector<16xf32>
      %xor3A_304 = arith.constant 2 : i32
      %xor3A_305 = vector.broadcast %xor3A_304 : i32 to vector<16xi32>
      %xor3A_306 = arith.xori %iota3A, %xor3A_305 : vector<16xi32>
      %lt3A_307 = arith.constant 0 : i32
      %lt3A_308 = vector.broadcast %lt3A_307 : i32 to vector<16xi32>
      %lt3A_309 = arith.cmpi slt, %xor3A_306, %lt3A_308 : vector<16xi32>
      %add3A_310 = arith.constant 16 : i32
      %add3A_311 = vector.broadcast %add3A_310 : i32 to vector<16xi32>
      %add3A_312 = arith.addi %xor3A_306, %add3A_311 : vector<16xi32>
      %select_n3A_313 = arith.select %lt3A_309, %add3A_312, %xor3A_306 : vector<16xi1>, vector<16xi32>
      %broadcast_in_dim3A_314 = vector.shape_cast %select_n3A_313 : vector<16xi32> to vector<16x1xi32>
      %gather3A_315 = vector.shape_cast %broadcast_in_dim3A_314 : vector<16x1xi32> to vector<16xi32>
      %gather3A_316 = tpu.dynamic_gather %min3A_303[%gather3A_315] in [0] : vector<16xf32>, vector<16xi32> -> vector<16xf32>
      %min3A_317 = arith.minimumf %min3A_303, %gather3A_316 : vector<16xf32>
      %xor3A_318 = arith.constant 4 : i32
      %xor3A_319 = vector.broadcast %xor3A_318 : i32 to vector<16xi32>
      %xor3A_320 = arith.xori %iota3A, %xor3A_319 : vector<16xi32>
      %lt3A_321 = arith.constant 0 : i32
      %lt3A_322 = vector.broadcast %lt3A_321 : i32 to vector<16xi32>
      %lt3A_323 = arith.cmpi slt, %xor3A_320, %lt3A_322 : vector<16xi32>
      %add3A_324 = arith.constant 16 : i32
      %add3A_325 = vector.broadcast %add3A_324 : i32 to vector<16xi32>
      %add3A_326 = arith.addi %xor3A_320, %add3A_325 : vector<16xi32>
      %select_n3A_327 = arith.select %lt3A_323, %add3A_326, %xor3A_320 : vector<16xi1>, vector<16xi32>
      %broadcast_in_dim3A_328 = vector.shape_cast %select_n3A_327 : vector<16xi32> to vector<16x1xi32>
      %gather3A_329 = vector.shape_cast %broadcast_in_dim3A_328 : vector<16x1xi32> to vector<16xi32>
      %gather3A_330 = tpu.dynamic_gather %min3A_317[%gather3A_329] in [0] : vector<16xf32>, vector<16xi32> -> vector<16xf32>
      %min3A_331 = arith.minimumf %min3A_317, %gather3A_330 : vector<16xf32>
      %xor3A_332 = arith.constant 8 : i32
      %xor3A_333 = vector.broadcast %xor3A_332 : i32 to vector<16xi32>
      %xor3A_334 = arith.xori %iota3A, %xor3A_333 : vector<16xi32>
      %lt3A_335 = arith.constant 0 : i32
      %lt3A_336 = vector.broadcast %lt3A_335 : i32 to vector<16xi32>
      %lt3A_337 = arith.cmpi slt, %xor3A_334, %lt3A_336 : vector<16xi32>
      %add3A_338 = arith.constant 16 : i32
      %add3A_339 = vector.broadcast %add3A_338 : i32 to vector<16xi32>
      %add3A_340 = arith.addi %xor3A_334, %add3A_339 : vector<16xi32>
      %select_n3A_341 = arith.select %lt3A_337, %add3A_340, %xor3A_334 : vector<16xi1>, vector<16xi32>
      %broadcast_in_dim3A_342 = vector.shape_cast %select_n3A_341 : vector<16xi32> to vector<16x1xi32>
      %gather3A_343 = vector.shape_cast %broadcast_in_dim3A_342 : vector<16x1xi32> to vector<16xi32>
      %gather3A_344 = tpu.dynamic_gather %min3A_331[%gather3A_343] in [0] : vector<16xf32>, vector<16xi32> -> vector<16xf32>
      %min3A_345 = arith.minimumf %min3A_331, %gather3A_344 : vector<16xf32>
      %mul3A_346 = arith.mulf %squeeze3A_22, %squeeze3A_22 : f32
      %mul3A_347 = arith.mulf %squeeze3A_38, %squeeze3A_38 : f32
      %add3A_348 = arith.addf %mul3A_346, %mul3A_347 : f32
      %add3A_349 = vector.broadcast %add3A_348 : f32 to vector<16xf32>
      %add3A_350 = arith.addf %min3A_345, %add3A_349 : vector<16xf32>
      %eq3A_351 = arith.constant 3 : i32
      %eq3A_352 = vector.broadcast %eq3A_351 : i32 to vector<16xi32>
      %eq3A_353 = arith.cmpi eq, %iota3A, %eq3A_352 : vector<16xi32>
      %select_n3A_354 = arith.select %eq3A_353, %add3A_350, %select_n3A_289 : vector<16xi1>, vector<16xf32>
      %xor3A_355 = arith.constant 1 : i32
      %xor3A_356 = vector.broadcast %xor3A_355 : i32 to vector<16xi32>
      %xor3A_357 = arith.xori %iota3A, %xor3A_356 : vector<16xi32>
      %lt3A_358 = arith.constant 0 : i32
      %lt3A_359 = vector.broadcast %lt3A_358 : i32 to vector<16xi32>
      %lt3A_360 = arith.cmpi slt, %xor3A_357, %lt3A_359 : vector<16xi32>
      %add3A_361 = arith.constant 16 : i32
      %add3A_362 = vector.broadcast %add3A_361 : i32 to vector<16xi32>
      %add3A_363 = arith.addi %xor3A_357, %add3A_362 : vector<16xi32>
      %select_n3A_364 = arith.select %lt3A_360, %add3A_363, %xor3A_357 : vector<16xi1>, vector<16xi32>
      %broadcast_in_dim3A_365 = vector.shape_cast %select_n3A_364 : vector<16xi32> to vector<16x1xi32>
      %gather3A_366 = vector.shape_cast %broadcast_in_dim3A_365 : vector<16x1xi32> to vector<16xi32>
      %gather3A_367 = tpu.dynamic_gather %scan3A_99#4[%gather3A_366] in [0] : vector<16xf32>, vector<16xi32> -> vector<16xf32>
      %min3A_368 = arith.minimumf %scan3A_99#4, %gather3A_367 : vector<16xf32>
      %xor3A_369 = arith.constant 2 : i32
      %xor3A_370 = vector.broadcast %xor3A_369 : i32 to vector<16xi32>
      %xor3A_371 = arith.xori %iota3A, %xor3A_370 : vector<16xi32>
      %lt3A_372 = arith.constant 0 : i32
      %lt3A_373 = vector.broadcast %lt3A_372 : i32 to vector<16xi32>
      %lt3A_374 = arith.cmpi slt, %xor3A_371, %lt3A_373 : vector<16xi32>
      %add3A_375 = arith.constant 16 : i32
      %add3A_376 = vector.broadcast %add3A_375 : i32 to vector<16xi32>
      %add3A_377 = arith.addi %xor3A_371, %add3A_376 : vector<16xi32>
      %select_n3A_378 = arith.select %lt3A_374, %add3A_377, %xor3A_371 : vector<16xi1>, vector<16xi32>
      %broadcast_in_dim3A_379 = vector.shape_cast %select_n3A_378 : vector<16xi32> to vector<16x1xi32>
      %gather3A_380 = vector.shape_cast %broadcast_in_dim3A_379 : vector<16x1xi32> to vector<16xi32>
      %gather3A_381 = tpu.dynamic_gather %min3A_368[%gather3A_380] in [0] : vector<16xf32>, vector<16xi32> -> vector<16xf32>
      %min3A_382 = arith.minimumf %min3A_368, %gather3A_381 : vector<16xf32>
      %xor3A_383 = arith.constant 4 : i32
      %xor3A_384 = vector.broadcast %xor3A_383 : i32 to vector<16xi32>
      %xor3A_385 = arith.xori %iota3A, %xor3A_384 : vector<16xi32>
      %lt3A_386 = arith.constant 0 : i32
      %lt3A_387 = vector.broadcast %lt3A_386 : i32 to vector<16xi32>
      %lt3A_388 = arith.cmpi slt, %xor3A_385, %lt3A_387 : vector<16xi32>
      %add3A_389 = arith.constant 16 : i32
      %add3A_390 = vector.broadcast %add3A_389 : i32 to vector<16xi32>
      %add3A_391 = arith.addi %xor3A_385, %add3A_390 : vector<16xi32>
      %select_n3A_392 = arith.select %lt3A_388, %add3A_391, %xor3A_385 : vector<16xi1>, vector<16xi32>
      %broadcast_in_dim3A_393 = vector.shape_cast %select_n3A_392 : vector<16xi32> to vector<16x1xi32>
      %gather3A_394 = vector.shape_cast %broadcast_in_dim3A_393 : vector<16x1xi32> to vector<16xi32>
      %gather3A_395 = tpu.dynamic_gather %min3A_382[%gather3A_394] in [0] : vector<16xf32>, vector<16xi32> -> vector<16xf32>
      %min3A_396 = arith.minimumf %min3A_382, %gather3A_395 : vector<16xf32>
      %xor3A_397 = arith.constant 8 : i32
      %xor3A_398 = vector.broadcast %xor3A_397 : i32 to vector<16xi32>
      %xor3A_399 = arith.xori %iota3A, %xor3A_398 : vector<16xi32>
      %lt3A_400 = arith.constant 0 : i32
      %lt3A_401 = vector.broadcast %lt3A_400 : i32 to vector<16xi32>
      %lt3A_402 = arith.cmpi slt, %xor3A_399, %lt3A_401 : vector<16xi32>
      %add3A_403 = arith.constant 16 : i32
      %add3A_404 = vector.broadcast %add3A_403 : i32 to vector<16xi32>
      %add3A_405 = arith.addi %xor3A_399, %add3A_404 : vector<16xi32>
      %select_n3A_406 = arith.select %lt3A_402, %add3A_405, %xor3A_399 : vector<16xi1>, vector<16xi32>
      %broadcast_in_dim3A_407 = vector.shape_cast %select_n3A_406 : vector<16xi32> to vector<16x1xi32>
      %gather3A_408 = vector.shape_cast %broadcast_in_dim3A_407 : vector<16x1xi32> to vector<16xi32>
      %gather3A_409 = tpu.dynamic_gather %min3A_396[%gather3A_408] in [0] : vector<16xf32>, vector<16xi32> -> vector<16xf32>
      %min3A_410 = arith.minimumf %min3A_396, %gather3A_409 : vector<16xf32>
      %mul3A_411 = arith.mulf %squeeze3A_24, %squeeze3A_24 : f32
      %mul3A_412 = arith.mulf %squeeze3A_40, %squeeze3A_40 : f32
      %add3A_413 = arith.addf %mul3A_411, %mul3A_412 : f32
      %add3A_414 = vector.broadcast %add3A_413 : f32 to vector<16xf32>
      %add3A_415 = arith.addf %min3A_410, %add3A_414 : vector<16xf32>
      %eq3A_416 = arith.constant 4 : i32
      %eq3A_417 = vector.broadcast %eq3A_416 : i32 to vector<16xi32>
      %eq3A_418 = arith.cmpi eq, %iota3A, %eq3A_417 : vector<16xi32>
      %select_n3A_419 = arith.select %eq3A_418, %add3A_415, %select_n3A_354 : vector<16xi1>, vector<16xf32>
      %xor3A_420 = arith.constant 1 : i32
      %xor3A_421 = vector.broadcast %xor3A_420 : i32 to vector<16xi32>
      %xor3A_422 = arith.xori %iota3A, %xor3A_421 : vector<16xi32>
      %lt3A_423 = arith.constant 0 : i32
      %lt3A_424 = vector.broadcast %lt3A_423 : i32 to vector<16xi32>
      %lt3A_425 = arith.cmpi slt, %xor3A_422, %lt3A_424 : vector<16xi32>
      %add3A_426 = arith.constant 16 : i32
      %add3A_427 = vector.broadcast %add3A_426 : i32 to vector<16xi32>
      %add3A_428 = arith.addi %xor3A_422, %add3A_427 : vector<16xi32>
      %select_n3A_429 = arith.select %lt3A_425, %add3A_428, %xor3A_422 : vector<16xi1>, vector<16xi32>
      %broadcast_in_dim3A_430 = vector.shape_cast %select_n3A_429 : vector<16xi32> to vector<16x1xi32>
      %gather3A_431 = vector.shape_cast %broadcast_in_dim3A_430 : vector<16x1xi32> to vector<16xi32>
      %gather3A_432 = tpu.dynamic_gather %scan3A_99#5[%gather3A_431] in [0] : vector<16xf32>, vector<16xi32> -> vector<16xf32>
      %min3A_433 = arith.minimumf %scan3A_99#5, %gather3A_432 : vector<16xf32>
      %xor3A_434 = arith.constant 2 : i32
      %xor3A_435 = vector.broadcast %xor3A_434 : i32 to vector<16xi32>
      %xor3A_436 = arith.xori %iota3A, %xor3A_435 : vector<16xi32>
      %lt3A_437 = arith.constant 0 : i32
      %lt3A_438 = vector.broadcast %lt3A_437 : i32 to vector<16xi32>
      %lt3A_439 = arith.cmpi slt, %xor3A_436, %lt3A_438 : vector<16xi32>
      %add3A_440 = arith.constant 16 : i32
      %add3A_441 = vector.broadcast %add3A_440 : i32 to vector<16xi32>
      %add3A_442 = arith.addi %xor3A_436, %add3A_441 : vector<16xi32>
      %select_n3A_443 = arith.select %lt3A_439, %add3A_442, %xor3A_436 : vector<16xi1>, vector<16xi32>
      %broadcast_in_dim3A_444 = vector.shape_cast %select_n3A_443 : vector<16xi32> to vector<16x1xi32>
      %gather3A_445 = vector.shape_cast %broadcast_in_dim3A_444 : vector<16x1xi32> to vector<16xi32>
      %gather3A_446 = tpu.dynamic_gather %min3A_433[%gather3A_445] in [0] : vector<16xf32>, vector<16xi32> -> vector<16xf32>
      %min3A_447 = arith.minimumf %min3A_433, %gather3A_446 : vector<16xf32>
      %xor3A_448 = arith.constant 4 : i32
      %xor3A_449 = vector.broadcast %xor3A_448 : i32 to vector<16xi32>
      %xor3A_450 = arith.xori %iota3A, %xor3A_449 : vector<16xi32>
      %lt3A_451 = arith.constant 0 : i32
      %lt3A_452 = vector.broadcast %lt3A_451 : i32 to vector<16xi32>
      %lt3A_453 = arith.cmpi slt, %xor3A_450, %lt3A_452 : vector<16xi32>
      %add3A_454 = arith.constant 16 : i32
      %add3A_455 = vector.broadcast %add3A_454 : i32 to vector<16xi32>
      %add3A_456 = arith.addi %xor3A_450, %add3A_455 : vector<16xi32>
      %select_n3A_457 = arith.select %lt3A_453, %add3A_456, %xor3A_450 : vector<16xi1>, vector<16xi32>
      %broadcast_in_dim3A_458 = vector.shape_cast %select_n3A_457 : vector<16xi32> to vector<16x1xi32>
      %gather3A_459 = vector.shape_cast %broadcast_in_dim3A_458 : vector<16x1xi32> to vector<16xi32>
      %gather3A_460 = tpu.dynamic_gather %min3A_447[%gather3A_459] in [0] : vector<16xf32>, vector<16xi32> -> vector<16xf32>
      %min3A_461 = arith.minimumf %min3A_447, %gather3A_460 : vector<16xf32>
      %xor3A_462 = arith.constant 8 : i32
      %xor3A_463 = vector.broadcast %xor3A_462 : i32 to vector<16xi32>
      %xor3A_464 = arith.xori %iota3A, %xor3A_463 : vector<16xi32>
      %lt3A_465 = arith.constant 0 : i32
      %lt3A_466 = vector.broadcast %lt3A_465 : i32 to vector<16xi32>
      %lt3A_467 = arith.cmpi slt, %xor3A_464, %lt3A_466 : vector<16xi32>
      %add3A_468 = arith.constant 16 : i32
      %add3A_469 = vector.broadcast %add3A_468 : i32 to vector<16xi32>
      %add3A_470 = arith.addi %xor3A_464, %add3A_469 : vector<16xi32>
      %select_n3A_471 = arith.select %lt3A_467, %add3A_470, %xor3A_464 : vector<16xi1>, vector<16xi32>
      %broadcast_in_dim3A_472 = vector.shape_cast %select_n3A_471 : vector<16xi32> to vector<16x1xi32>
      %gather3A_473 = vector.shape_cast %broadcast_in_dim3A_472 : vector<16x1xi32> to vector<16xi32>
      %gather3A_474 = tpu.dynamic_gather %min3A_461[%gather3A_473] in [0] : vector<16xf32>, vector<16xi32> -> vector<16xf32>
      %min3A_475 = arith.minimumf %min3A_461, %gather3A_474 : vector<16xf32>
      %mul3A_476 = arith.mulf %squeeze3A_26, %squeeze3A_26 : f32
      %mul3A_477 = arith.mulf %squeeze3A_42, %squeeze3A_42 : f32
      %add3A_478 = arith.addf %mul3A_476, %mul3A_477 : f32
      %add3A_479 = vector.broadcast %add3A_478 : f32 to vector<16xf32>
      %add3A_480 = arith.addf %min3A_475, %add3A_479 : vector<16xf32>
      %eq3A_481 = arith.constant 5 : i32
      %eq3A_482 = vector.broadcast %eq3A_481 : i32 to vector<16xi32>
      %eq3A_483 = arith.cmpi eq, %iota3A, %eq3A_482 : vector<16xi32>
      %select_n3A_484 = arith.select %eq3A_483, %add3A_480, %select_n3A_419 : vector<16xi1>, vector<16xf32>
      %xor3A_485 = arith.constant 1 : i32
      %xor3A_486 = vector.broadcast %xor3A_485 : i32 to vector<16xi32>
      %xor3A_487 = arith.xori %iota3A, %xor3A_486 : vector<16xi32>
      %lt3A_488 = arith.constant 0 : i32
      %lt3A_489 = vector.broadcast %lt3A_488 : i32 to vector<16xi32>
      %lt3A_490 = arith.cmpi slt, %xor3A_487, %lt3A_489 : vector<16xi32>
      %add3A_491 = arith.constant 16 : i32
      %add3A_492 = vector.broadcast %add3A_491 : i32 to vector<16xi32>
      %add3A_493 = arith.addi %xor3A_487, %add3A_492 : vector<16xi32>
      %select_n3A_494 = arith.select %lt3A_490, %add3A_493, %xor3A_487 : vector<16xi1>, vector<16xi32>
      %broadcast_in_dim3A_495 = vector.shape_cast %select_n3A_494 : vector<16xi32> to vector<16x1xi32>
      %gather3A_496 = vector.shape_cast %broadcast_in_dim3A_495 : vector<16x1xi32> to vector<16xi32>
      %gather3A_497 = tpu.dynamic_gather %scan3A_99#6[%gather3A_496] in [0] : vector<16xf32>, vector<16xi32> -> vector<16xf32>
      %min3A_498 = arith.minimumf %scan3A_99#6, %gather3A_497 : vector<16xf32>
      %xor3A_499 = arith.constant 2 : i32
      %xor3A_500 = vector.broadcast %xor3A_499 : i32 to vector<16xi32>
      %xor3A_501 = arith.xori %iota3A, %xor3A_500 : vector<16xi32>
      %lt3A_502 = arith.constant 0 : i32
      %lt3A_503 = vector.broadcast %lt3A_502 : i32 to vector<16xi32>
      %lt3A_504 = arith.cmpi slt, %xor3A_501, %lt3A_503 : vector<16xi32>
      %add3A_505 = arith.constant 16 : i32
      %add3A_506 = vector.broadcast %add3A_505 : i32 to vector<16xi32>
      %add3A_507 = arith.addi %xor3A_501, %add3A_506 : vector<16xi32>
      %select_n3A_508 = arith.select %lt3A_504, %add3A_507, %xor3A_501 : vector<16xi1>, vector<16xi32>
      %broadcast_in_dim3A_509 = vector.shape_cast %select_n3A_508 : vector<16xi32> to vector<16x1xi32>
      %gather3A_510 = vector.shape_cast %broadcast_in_dim3A_509 : vector<16x1xi32> to vector<16xi32>
      %gather3A_511 = tpu.dynamic_gather %min3A_498[%gather3A_510] in [0] : vector<16xf32>, vector<16xi32> -> vector<16xf32>
      %min3A_512 = arith.minimumf %min3A_498, %gather3A_511 : vector<16xf32>
      %xor3A_513 = arith.constant 4 : i32
      %xor3A_514 = vector.broadcast %xor3A_513 : i32 to vector<16xi32>
      %xor3A_515 = arith.xori %iota3A, %xor3A_514 : vector<16xi32>
      %lt3A_516 = arith.constant 0 : i32
      %lt3A_517 = vector.broadcast %lt3A_516 : i32 to vector<16xi32>
      %lt3A_518 = arith.cmpi slt, %xor3A_515, %lt3A_517 : vector<16xi32>
      %add3A_519 = arith.constant 16 : i32
      %add3A_520 = vector.broadcast %add3A_519 : i32 to vector<16xi32>
      %add3A_521 = arith.addi %xor3A_515, %add3A_520 : vector<16xi32>
      %select_n3A_522 = arith.select %lt3A_518, %add3A_521, %xor3A_515 : vector<16xi1>, vector<16xi32>
      %broadcast_in_dim3A_523 = vector.shape_cast %select_n3A_522 : vector<16xi32> to vector<16x1xi32>
      %gather3A_524 = vector.shape_cast %broadcast_in_dim3A_523 : vector<16x1xi32> to vector<16xi32>
      %gather3A_525 = tpu.dynamic_gather %min3A_512[%gather3A_524] in [0] : vector<16xf32>, vector<16xi32> -> vector<16xf32>
      %min3A_526 = arith.minimumf %min3A_512, %gather3A_525 : vector<16xf32>
      %xor3A_527 = arith.constant 8 : i32
      %xor3A_528 = vector.broadcast %xor3A_527 : i32 to vector<16xi32>
      %xor3A_529 = arith.xori %iota3A, %xor3A_528 : vector<16xi32>
      %lt3A_530 = arith.constant 0 : i32
      %lt3A_531 = vector.broadcast %lt3A_530 : i32 to vector<16xi32>
      %lt3A_532 = arith.cmpi slt, %xor3A_529, %lt3A_531 : vector<16xi32>
      %add3A_533 = arith.constant 16 : i32
      %add3A_534 = vector.broadcast %add3A_533 : i32 to vector<16xi32>
      %add3A_535 = arith.addi %xor3A_529, %add3A_534 : vector<16xi32>
      %select_n3A_536 = arith.select %lt3A_532, %add3A_535, %xor3A_529 : vector<16xi1>, vector<16xi32>
      %broadcast_in_dim3A_537 = vector.shape_cast %select_n3A_536 : vector<16xi32> to vector<16x1xi32>
      %gather3A_538 = vector.shape_cast %broadcast_in_dim3A_537 : vector<16x1xi32> to vector<16xi32>
      %gather3A_539 = tpu.dynamic_gather %min3A_526[%gather3A_538] in [0] : vector<16xf32>, vector<16xi32> -> vector<16xf32>
      %min3A_540 = arith.minimumf %min3A_526, %gather3A_539 : vector<16xf32>
      %mul3A_541 = arith.mulf %squeeze3A_28, %squeeze3A_28 : f32
      %mul3A_542 = arith.mulf %squeeze3A_44, %squeeze3A_44 : f32
      %add3A_543 = arith.addf %mul3A_541, %mul3A_542 : f32
      %add3A_544 = vector.broadcast %add3A_543 : f32 to vector<16xf32>
      %add3A_545 = arith.addf %min3A_540, %add3A_544 : vector<16xf32>
      %eq3A_546 = arith.constant 6 : i32
      %eq3A_547 = vector.broadcast %eq3A_546 : i32 to vector<16xi32>
      %eq3A_548 = arith.cmpi eq, %iota3A, %eq3A_547 : vector<16xi32>
      %select_n3A_549 = arith.select %eq3A_548, %add3A_545, %select_n3A_484 : vector<16xi1>, vector<16xf32>
      %xor3A_550 = arith.constant 1 : i32
      %xor3A_551 = vector.broadcast %xor3A_550 : i32 to vector<16xi32>
      %xor3A_552 = arith.xori %iota3A, %xor3A_551 : vector<16xi32>
      %lt3A_553 = arith.constant 0 : i32
      %lt3A_554 = vector.broadcast %lt3A_553 : i32 to vector<16xi32>
      %lt3A_555 = arith.cmpi slt, %xor3A_552, %lt3A_554 : vector<16xi32>
      %add3A_556 = arith.constant 16 : i32
      %add3A_557 = vector.broadcast %add3A_556 : i32 to vector<16xi32>
      %add3A_558 = arith.addi %xor3A_552, %add3A_557 : vector<16xi32>
      %select_n3A_559 = arith.select %lt3A_555, %add3A_558, %xor3A_552 : vector<16xi1>, vector<16xi32>
      %broadcast_in_dim3A_560 = vector.shape_cast %select_n3A_559 : vector<16xi32> to vector<16x1xi32>
      %gather3A_561 = vector.shape_cast %broadcast_in_dim3A_560 : vector<16x1xi32> to vector<16xi32>
      %gather3A_562 = tpu.dynamic_gather %scan3A_99#7[%gather3A_561] in [0] : vector<16xf32>, vector<16xi32> -> vector<16xf32>
      %min3A_563 = arith.minimumf %scan3A_99#7, %gather3A_562 : vector<16xf32>
      %xor3A_564 = arith.constant 2 : i32
      %xor3A_565 = vector.broadcast %xor3A_564 : i32 to vector<16xi32>
      %xor3A_566 = arith.xori %iota3A, %xor3A_565 : vector<16xi32>
      %lt3A_567 = arith.constant 0 : i32
      %lt3A_568 = vector.broadcast %lt3A_567 : i32 to vector<16xi32>
      %lt3A_569 = arith.cmpi slt, %xor3A_566, %lt3A_568 : vector<16xi32>
      %add3A_570 = arith.constant 16 : i32
      %add3A_571 = vector.broadcast %add3A_570 : i32 to vector<16xi32>
      %add3A_572 = arith.addi %xor3A_566, %add3A_571 : vector<16xi32>
      %select_n3A_573 = arith.select %lt3A_569, %add3A_572, %xor3A_566 : vector<16xi1>, vector<16xi32>
      %broadcast_in_dim3A_574 = vector.shape_cast %select_n3A_573 : vector<16xi32> to vector<16x1xi32>
      %gather3A_575 = vector.shape_cast %broadcast_in_dim3A_574 : vector<16x1xi32> to vector<16xi32>
      %gather3A_576 = tpu.dynamic_gather %min3A_563[%gather3A_575] in [0] : vector<16xf32>, vector<16xi32> -> vector<16xf32>
      %min3A_577 = arith.minimumf %min3A_563, %gather3A_576 : vector<16xf32>
      %xor3A_578 = arith.constant 4 : i32
      %xor3A_579 = vector.broadcast %xor3A_578 : i32 to vector<16xi32>
      %xor3A_580 = arith.xori %iota3A, %xor3A_579 : vector<16xi32>
      %lt3A_581 = arith.constant 0 : i32
      %lt3A_582 = vector.broadcast %lt3A_581 : i32 to vector<16xi32>
      %lt3A_583 = arith.cmpi slt, %xor3A_580, %lt3A_582 : vector<16xi32>
      %add3A_584 = arith.constant 16 : i32
      %add3A_585 = vector.broadcast %add3A_584 : i32 to vector<16xi32>
      %add3A_586 = arith.addi %xor3A_580, %add3A_585 : vector<16xi32>
      %select_n3A_587 = arith.select %lt3A_583, %add3A_586, %xor3A_580 : vector<16xi1>, vector<16xi32>
      %broadcast_in_dim3A_588 = vector.shape_cast %select_n3A_587 : vector<16xi32> to vector<16x1xi32>
      %gather3A_589 = vector.shape_cast %broadcast_in_dim3A_588 : vector<16x1xi32> to vector<16xi32>
      %gather3A_590 = tpu.dynamic_gather %min3A_577[%gather3A_589] in [0] : vector<16xf32>, vector<16xi32> -> vector<16xf32>
      %min3A_591 = arith.minimumf %min3A_577, %gather3A_590 : vector<16xf32>
      %xor3A_592 = arith.constant 8 : i32
      %xor3A_593 = vector.broadcast %xor3A_592 : i32 to vector<16xi32>
      %xor3A_594 = arith.xori %iota3A, %xor3A_593 : vector<16xi32>
      %lt3A_595 = arith.constant 0 : i32
      %lt3A_596 = vector.broadcast %lt3A_595 : i32 to vector<16xi32>
      %lt3A_597 = arith.cmpi slt, %xor3A_594, %lt3A_596 : vector<16xi32>
      %add3A_598 = arith.constant 16 : i32
      %add3A_599 = vector.broadcast %add3A_598 : i32 to vector<16xi32>
      %add3A_600 = arith.addi %xor3A_594, %add3A_599 : vector<16xi32>
      %select_n3A_601 = arith.select %lt3A_597, %add3A_600, %xor3A_594 : vector<16xi1>, vector<16xi32>
      %broadcast_in_dim3A_602 = vector.shape_cast %select_n3A_601 : vector<16xi32> to vector<16x1xi32>
      %gather3A_603 = vector.shape_cast %broadcast_in_dim3A_602 : vector<16x1xi32> to vector<16xi32>
      %gather3A_604 = tpu.dynamic_gather %min3A_591[%gather3A_603] in [0] : vector<16xf32>, vector<16xi32> -> vector<16xf32>
      %min3A_605 = arith.minimumf %min3A_591, %gather3A_604 : vector<16xf32>
      %mul3A_606 = arith.mulf %squeeze3A_30, %squeeze3A_30 : f32
      %mul3A_607 = arith.mulf %squeeze3A_46, %squeeze3A_46 : f32
      %add3A_608 = arith.addf %mul3A_606, %mul3A_607 : f32
      %add3A_609 = vector.broadcast %add3A_608 : f32 to vector<16xf32>
      %add3A_610 = arith.addf %min3A_605, %add3A_609 : vector<16xf32>
      %eq3A_611 = arith.constant 7 : i32
      %eq3A_612 = vector.broadcast %eq3A_611 : i32 to vector<16xi32>
      %eq3A_613 = arith.cmpi eq, %iota3A, %eq3A_612 : vector<16xi32>
      %select_n3A_614 = arith.select %eq3A_613, %add3A_610, %select_n3A_549 : vector<16xi1>, vector<16xf32>
      %slice3A_615 = vector.extract_strided_slice %get3A_12 {offsets = [8], sizes = [1], strides = [1]} : vector<16xf32> to vector<1xf32>
      %squeeze3A_616 = vector.extract %slice3A_615[0] : f32 from vector<1xf32>
      %slice3A_617 = vector.extract_strided_slice %get3A_12 {offsets = [9], sizes = [1], strides = [1]} : vector<16xf32> to vector<1xf32>
      %squeeze3A_618 = vector.extract %slice3A_617[0] : f32 from vector<1xf32>
      %slice3A_619 = vector.extract_strided_slice %get3A_12 {offsets = [10], sizes = [1], strides = [1]} : vector<16xf32> to vector<1xf32>
      %squeeze3A_620 = vector.extract %slice3A_619[0] : f32 from vector<1xf32>
      %slice3A_621 = vector.extract_strided_slice %get3A_12 {offsets = [11], sizes = [1], strides = [1]} : vector<16xf32> to vector<1xf32>
      %squeeze3A_622 = vector.extract %slice3A_621[0] : f32 from vector<1xf32>
      %slice3A_623 = vector.extract_strided_slice %get3A_12 {offsets = [12], sizes = [1], strides = [1]} : vector<16xf32> to vector<1xf32>
      %squeeze3A_624 = vector.extract %slice3A_623[0] : f32 from vector<1xf32>
      %slice3A_625 = vector.extract_strided_slice %get3A_12 {offsets = [13], sizes = [1], strides = [1]} : vector<16xf32> to vector<1xf32>
      %squeeze3A_626 = vector.extract %slice3A_625[0] : f32 from vector<1xf32>
      %slice3A_627 = vector.extract_strided_slice %get3A_12 {offsets = [14], sizes = [1], strides = [1]} : vector<16xf32> to vector<1xf32>
      %squeeze3A_628 = vector.extract %slice3A_627[0] : f32 from vector<1xf32>
      %slice3A_629 = vector.extract_strided_slice %get3A_12 {offsets = [15], sizes = [1], strides = [1]} : vector<16xf32> to vector<1xf32>
      %squeeze3A_630 = vector.extract %slice3A_629[0] : f32 from vector<1xf32>
      %slice3A_631 = vector.extract_strided_slice %get3A_15 {offsets = [8], sizes = [1], strides = [1]} : vector<16xf32> to vector<1xf32>
      %squeeze3A_632 = vector.extract %slice3A_631[0] : f32 from vector<1xf32>
      %slice3A_633 = vector.extract_strided_slice %get3A_15 {offsets = [9], sizes = [1], strides = [1]} : vector<16xf32> to vector<1xf32>
      %squeeze3A_634 = vector.extract %slice3A_633[0] : f32 from vector<1xf32>
      %slice3A_635 = vector.extract_strided_slice %get3A_15 {offsets = [10], sizes = [1], strides = [1]} : vector<16xf32> to vector<1xf32>
      %squeeze3A_636 = vector.extract %slice3A_635[0] : f32 from vector<1xf32>
      %slice3A_637 = vector.extract_strided_slice %get3A_15 {offsets = [11], sizes = [1], strides = [1]} : vector<16xf32> to vector<1xf32>
      %squeeze3A_638 = vector.extract %slice3A_637[0] : f32 from vector<1xf32>
      %slice3A_639 = vector.extract_strided_slice %get3A_15 {offsets = [12], sizes = [1], strides = [1]} : vector<16xf32> to vector<1xf32>
      %squeeze3A_640 = vector.extract %slice3A_639[0] : f32 from vector<1xf32>
      %slice3A_641 = vector.extract_strided_slice %get3A_15 {offsets = [13], sizes = [1], strides = [1]} : vector<16xf32> to vector<1xf32>
      %squeeze3A_642 = vector.extract %slice3A_641[0] : f32 from vector<1xf32>
      %slice3A_643 = vector.extract_strided_slice %get3A_15 {offsets = [14], sizes = [1], strides = [1]} : vector<16xf32> to vector<1xf32>
      %squeeze3A_644 = vector.extract %slice3A_643[0] : f32 from vector<1xf32>
      %slice3A_645 = vector.extract_strided_slice %get3A_15 {offsets = [15], sizes = [1], strides = [1]} : vector<16xf32> to vector<1xf32>
      %squeeze3A_646 = vector.extract %slice3A_645[0] : f32 from vector<1xf32>
      %mul3A_647 = arith.constant -2.000000e+00 : f32
      %mul3A_648 = arith.mulf %mul3A_647, %squeeze3A_616 : f32
      %mul3A_649 = arith.constant -2.000000e+00 : f32
      %mul3A_650 = arith.mulf %mul3A_649, %squeeze3A_618 : f32
      %mul3A_651 = arith.constant -2.000000e+00 : f32
      %mul3A_652 = arith.mulf %mul3A_651, %squeeze3A_620 : f32
      %mul3A_653 = arith.constant -2.000000e+00 : f32
      %mul3A_654 = arith.mulf %mul3A_653, %squeeze3A_622 : f32
      %mul3A_655 = arith.constant -2.000000e+00 : f32
      %mul3A_656 = arith.mulf %mul3A_655, %squeeze3A_624 : f32
      %mul3A_657 = arith.constant -2.000000e+00 : f32
      %mul3A_658 = arith.mulf %mul3A_657, %squeeze3A_626 : f32
      %mul3A_659 = arith.constant -2.000000e+00 : f32
      %mul3A_660 = arith.mulf %mul3A_659, %squeeze3A_628 : f32
      %mul3A_661 = arith.constant -2.000000e+00 : f32
      %mul3A_662 = arith.mulf %mul3A_661, %squeeze3A_630 : f32
      %mul3A_663 = arith.constant -2.000000e+00 : f32
      %mul3A_664 = arith.mulf %mul3A_663, %squeeze3A_632 : f32
      %mul3A_665 = arith.constant -2.000000e+00 : f32
      %mul3A_666 = arith.mulf %mul3A_665, %squeeze3A_634 : f32
      %mul3A_667 = arith.constant -2.000000e+00 : f32
      %mul3A_668 = arith.mulf %mul3A_667, %squeeze3A_636 : f32
      %mul3A_669 = arith.constant -2.000000e+00 : f32
      %mul3A_670 = arith.mulf %mul3A_669, %squeeze3A_638 : f32
      %mul3A_671 = arith.constant -2.000000e+00 : f32
      %mul3A_672 = arith.mulf %mul3A_671, %squeeze3A_640 : f32
      %mul3A_673 = arith.constant -2.000000e+00 : f32
      %mul3A_674 = arith.mulf %mul3A_673, %squeeze3A_642 : f32
      %mul3A_675 = arith.constant -2.000000e+00 : f32
      %mul3A_676 = arith.mulf %mul3A_675, %squeeze3A_644 : f32
      %mul3A_677 = arith.constant -2.000000e+00 : f32
      %mul3A_678 = arith.mulf %mul3A_677, %squeeze3A_646 : f32
      %broadcast_in_dim3A_679 = arith.constant 3.000000e+38 : f32
      %broadcast_in_dim3A_680 = vector.broadcast %broadcast_in_dim3A_679 : f32 to vector<16xf32>
      %broadcast_in_dim3A_681 = arith.constant 3.000000e+38 : f32
      %broadcast_in_dim3A_682 = vector.broadcast %broadcast_in_dim3A_681 : f32 to vector<16xf32>
      %broadcast_in_dim3A_683 = arith.constant 3.000000e+38 : f32
      %broadcast_in_dim3A_684 = vector.broadcast %broadcast_in_dim3A_683 : f32 to vector<16xf32>
      %broadcast_in_dim3A_685 = arith.constant 3.000000e+38 : f32
      %broadcast_in_dim3A_686 = vector.broadcast %broadcast_in_dim3A_685 : f32 to vector<16xf32>
      %broadcast_in_dim3A_687 = arith.constant 3.000000e+38 : f32
      %broadcast_in_dim3A_688 = vector.broadcast %broadcast_in_dim3A_687 : f32 to vector<16xf32>
      %broadcast_in_dim3A_689 = arith.constant 3.000000e+38 : f32
      %broadcast_in_dim3A_690 = vector.broadcast %broadcast_in_dim3A_689 : f32 to vector<16xf32>
      %broadcast_in_dim3A_691 = arith.constant 3.000000e+38 : f32
      %broadcast_in_dim3A_692 = vector.broadcast %broadcast_in_dim3A_691 : f32 to vector<16xf32>
      %broadcast_in_dim3A_693 = arith.constant 3.000000e+38 : f32
      %broadcast_in_dim3A_694 = vector.broadcast %broadcast_in_dim3A_693 : f32 to vector<16xf32>
      %scan3A_695 = arith.constant 0 : i32
      %scan3A_696 = arith.constant 256 : i32
      %scan3A_697 = arith.addi %scan3A_695, %scan3A_696 : i32
      %scan3A_698 = arith.constant 2 : i32
      %scan3A_699:8 = scf.for %scan3A_1224 = %scan3A_695 to %scan3A_697 step %scan3A_698 iter_args(%scan3A_1225 = %broadcast_in_dim3A_680, %scan3A_1226 = %broadcast_in_dim3A_682, %scan3A_1227 = %broadcast_in_dim3A_684, %scan3A_1228 = %broadcast_in_dim3A_686, %scan3A_1229 = %broadcast_in_dim3A_688, %scan3A_1230 = %broadcast_in_dim3A_690, %scan3A_1231 = %broadcast_in_dim3A_692, %scan3A_1232 = %broadcast_in_dim3A_694) -> (vector<16xf32>, vector<16xf32>, vector<16xf32>, vector<16xf32>, vector<16xf32>, vector<16xf32>, vector<16xf32>, vector<16xf32>)  : i32 {
        %mul3A_1233 = arith.constant 16 : i32
        %mul3A_1234 = arith.muli %scan3A_1224, %mul3A_1233 : i32
        %get3A_1235 = arith.index_cast %mul3A_1234 : i32 to index
        %get3A_1236 = tpu.vector_load %arg10[%get3A_1235] {strides = array<i32>} : memref<4096xf32, #tpu.memory_space<vmem>>, vector<16xf32>,
        %get3A_1237 = vector.shape_cast %get3A_1236 : vector<16xf32> to vector<16xf32>
        %get3A_1238 = arith.index_cast %mul3A_1234 : i32 to index
        %get3A_1239 = tpu.vector_load %arg11[%get3A_1238] {strides = array<i32>} : memref<4096xf32, #tpu.memory_space<vmem>>, vector<16xf32>,
        %get3A_1240 = vector.shape_cast %get3A_1239 : vector<16xf32> to vector<16xf32>
        %get3A_1241 = arith.index_cast %mul3A_1234 : i32 to index
        %get3A_1242 = tpu.vector_load %arg12[%get3A_1241] {strides = array<i32>} : memref<4096xf32, #tpu.memory_space<vmem>>, vector<16xf32>,
        %get3A_1243 = vector.shape_cast %get3A_1242 : vector<16xf32> to vector<16xf32>
        %mul3A_1244 = vector.broadcast %mul3A_648 : f32 to vector<16xf32>
        %mul3A_1245 = arith.mulf %mul3A_1244, %get3A_1237 : vector<16xf32>
        %mul3A_1246 = vector.broadcast %mul3A_664 : f32 to vector<16xf32>
        %mul3A_1247 = arith.mulf %mul3A_1246, %get3A_1240 : vector<16xf32>
        %add3A_1248 = arith.addf %mul3A_1247, %get3A_1243 : vector<16xf32>
        %add3A_1249 = arith.addf %mul3A_1245, %add3A_1248 : vector<16xf32>
        %min3A_1250 = arith.minimumf %scan3A_1225, %add3A_1249 : vector<16xf32>
        %mul3A_1251 = vector.broadcast %mul3A_650 : f32 to vector<16xf32>
        %mul3A_1252 = arith.mulf %mul3A_1251, %get3A_1237 : vector<16xf32>
        %mul3A_1253 = vector.broadcast %mul3A_666 : f32 to vector<16xf32>
        %mul3A_1254 = arith.mulf %mul3A_1253, %get3A_1240 : vector<16xf32>
        %add3A_1255 = arith.addf %mul3A_1254, %get3A_1243 : vector<16xf32>
        %add3A_1256 = arith.addf %mul3A_1252, %add3A_1255 : vector<16xf32>
        %min3A_1257 = arith.minimumf %scan3A_1226, %add3A_1256 : vector<16xf32>
        %mul3A_1258 = vector.broadcast %mul3A_652 : f32 to vector<16xf32>
        %mul3A_1259 = arith.mulf %mul3A_1258, %get3A_1237 : vector<16xf32>
        %mul3A_1260 = vector.broadcast %mul3A_668 : f32 to vector<16xf32>
        %mul3A_1261 = arith.mulf %mul3A_1260, %get3A_1240 : vector<16xf32>
        %add3A_1262 = arith.addf %mul3A_1261, %get3A_1243 : vector<16xf32>
        %add3A_1263 = arith.addf %mul3A_1259, %add3A_1262 : vector<16xf32>
        %min3A_1264 = arith.minimumf %scan3A_1227, %add3A_1263 : vector<16xf32>
        %mul3A_1265 = vector.broadcast %mul3A_654 : f32 to vector<16xf32>
        %mul3A_1266 = arith.mulf %mul3A_1265, %get3A_1237 : vector<16xf32>
        %mul3A_1267 = vector.broadcast %mul3A_670 : f32 to vector<16xf32>
        %mul3A_1268 = arith.mulf %mul3A_1267, %get3A_1240 : vector<16xf32>
        %add3A_1269 = arith.addf %mul3A_1268, %get3A_1243 : vector<16xf32>
        %add3A_1270 = arith.addf %mul3A_1266, %add3A_1269 : vector<16xf32>
        %min3A_1271 = arith.minimumf %scan3A_1228, %add3A_1270 : vector<16xf32>
        %mul3A_1272 = vector.broadcast %mul3A_656 : f32 to vector<16xf32>
        %mul3A_1273 = arith.mulf %mul3A_1272, %get3A_1237 : vector<16xf32>
        %mul3A_1274 = vector.broadcast %mul3A_672 : f32 to vector<16xf32>
        %mul3A_1275 = arith.mulf %mul3A_1274, %get3A_1240 : vector<16xf32>
        %add3A_1276 = arith.addf %mul3A_1275, %get3A_1243 : vector<16xf32>
        %add3A_1277 = arith.addf %mul3A_1273, %add3A_1276 : vector<16xf32>
        %min3A_1278 = arith.minimumf %scan3A_1229, %add3A_1277 : vector<16xf32>
        %mul3A_1279 = vector.broadcast %mul3A_658 : f32 to vector<16xf32>
        %mul3A_1280 = arith.mulf %mul3A_1279, %get3A_1237 : vector<16xf32>
        %mul3A_1281 = vector.broadcast %mul3A_674 : f32 to vector<16xf32>
        %mul3A_1282 = arith.mulf %mul3A_1281, %get3A_1240 : vector<16xf32>
        %add3A_1283 = arith.addf %mul3A_1282, %get3A_1243 : vector<16xf32>
        %add3A_1284 = arith.addf %mul3A_1280, %add3A_1283 : vector<16xf32>
        %min3A_1285 = arith.minimumf %scan3A_1230, %add3A_1284 : vector<16xf32>
        %mul3A_1286 = vector.broadcast %mul3A_660 : f32 to vector<16xf32>
        %mul3A_1287 = arith.mulf %mul3A_1286, %get3A_1237 : vector<16xf32>
        %mul3A_1288 = vector.broadcast %mul3A_676 : f32 to vector<16xf32>
        %mul3A_1289 = arith.mulf %mul3A_1288, %get3A_1240 : vector<16xf32>
        %add3A_1290 = arith.addf %mul3A_1289, %get3A_1243 : vector<16xf32>
        %add3A_1291 = arith.addf %mul3A_1287, %add3A_1290 : vector<16xf32>
        %min3A_1292 = arith.minimumf %scan3A_1231, %add3A_1291 : vector<16xf32>
        %mul3A_1293 = vector.broadcast %mul3A_662 : f32 to vector<16xf32>
        %mul3A_1294 = arith.mulf %mul3A_1293, %get3A_1237 : vector<16xf32>
        %mul3A_1295 = vector.broadcast %mul3A_678 : f32 to vector<16xf32>
        %mul3A_1296 = arith.mulf %mul3A_1295, %get3A_1240 : vector<16xf32>
        %add3A_1297 = arith.addf %mul3A_1296, %get3A_1243 : vector<16xf32>
        %add3A_1298 = arith.addf %mul3A_1294, %add3A_1297 : vector<16xf32>
        %min3A_1299 = arith.minimumf %scan3A_1232, %add3A_1298 : vector<16xf32>
        %scan3A_1300 = arith.constant 1 : i32
        %scan3A_1301 = arith.addi %scan3A_1224, %scan3A_1300 : i32
        %mul3A_1302 = arith.constant 16 : i32
        %mul3A_1303 = arith.muli %scan3A_1301, %mul3A_1302 : i32
        %get3A_1304 = arith.index_cast %mul3A_1303 : i32 to index
        %get3A_1305 = tpu.vector_load %arg10[%get3A_1304] {strides = array<i32>} : memref<4096xf32, #tpu.memory_space<vmem>>, vector<16xf32>,
        %get3A_1306 = vector.shape_cast %get3A_1305 : vector<16xf32> to vector<16xf32>
        %get3A_1307 = arith.index_cast %mul3A_1303 : i32 to index
        %get3A_1308 = tpu.vector_load %arg11[%get3A_1307] {strides = array<i32>} : memref<4096xf32, #tpu.memory_space<vmem>>, vector<16xf32>,
        %get3A_1309 = vector.shape_cast %get3A_1308 : vector<16xf32> to vector<16xf32>
        %get3A_1310 = arith.index_cast %mul3A_1303 : i32 to index
        %get3A_1311 = tpu.vector_load %arg12[%get3A_1310] {strides = array<i32>} : memref<4096xf32, #tpu.memory_space<vmem>>, vector<16xf32>,
        %get3A_1312 = vector.shape_cast %get3A_1311 : vector<16xf32> to vector<16xf32>
        %mul3A_1313 = vector.broadcast %mul3A_648 : f32 to vector<16xf32>
        %mul3A_1314 = arith.mulf %mul3A_1313, %get3A_1306 : vector<16xf32>
        %mul3A_1315 = vector.broadcast %mul3A_664 : f32 to vector<16xf32>
        %mul3A_1316 = arith.mulf %mul3A_1315, %get3A_1309 : vector<16xf32>
        %add3A_1317 = arith.addf %mul3A_1316, %get3A_1312 : vector<16xf32>
        %add3A_1318 = arith.addf %mul3A_1314, %add3A_1317 : vector<16xf32>
        %min3A_1319 = arith.minimumf %min3A_1250, %add3A_1318 : vector<16xf32>
        %mul3A_1320 = vector.broadcast %mul3A_650 : f32 to vector<16xf32>
        %mul3A_1321 = arith.mulf %mul3A_1320, %get3A_1306 : vector<16xf32>
        %mul3A_1322 = vector.broadcast %mul3A_666 : f32 to vector<16xf32>
        %mul3A_1323 = arith.mulf %mul3A_1322, %get3A_1309 : vector<16xf32>
        %add3A_1324 = arith.addf %mul3A_1323, %get3A_1312 : vector<16xf32>
        %add3A_1325 = arith.addf %mul3A_1321, %add3A_1324 : vector<16xf32>
        %min3A_1326 = arith.minimumf %min3A_1257, %add3A_1325 : vector<16xf32>
        %mul3A_1327 = vector.broadcast %mul3A_652 : f32 to vector<16xf32>
        %mul3A_1328 = arith.mulf %mul3A_1327, %get3A_1306 : vector<16xf32>
        %mul3A_1329 = vector.broadcast %mul3A_668 : f32 to vector<16xf32>
        %mul3A_1330 = arith.mulf %mul3A_1329, %get3A_1309 : vector<16xf32>
        %add3A_1331 = arith.addf %mul3A_1330, %get3A_1312 : vector<16xf32>
        %add3A_1332 = arith.addf %mul3A_1328, %add3A_1331 : vector<16xf32>
        %min3A_1333 = arith.minimumf %min3A_1264, %add3A_1332 : vector<16xf32>
        %mul3A_1334 = vector.broadcast %mul3A_654 : f32 to vector<16xf32>
        %mul3A_1335 = arith.mulf %mul3A_1334, %get3A_1306 : vector<16xf32>
        %mul3A_1336 = vector.broadcast %mul3A_670 : f32 to vector<16xf32>
        %mul3A_1337 = arith.mulf %mul3A_1336, %get3A_1309 : vector<16xf32>
        %add3A_1338 = arith.addf %mul3A_1337, %get3A_1312 : vector<16xf32>
        %add3A_1339 = arith.addf %mul3A_1335, %add3A_1338 : vector<16xf32>
        %min3A_1340 = arith.minimumf %min3A_1271, %add3A_1339 : vector<16xf32>
        %mul3A_1341 = vector.broadcast %mul3A_656 : f32 to vector<16xf32>
        %mul3A_1342 = arith.mulf %mul3A_1341, %get3A_1306 : vector<16xf32>
        %mul3A_1343 = vector.broadcast %mul3A_672 : f32 to vector<16xf32>
        %mul3A_1344 = arith.mulf %mul3A_1343, %get3A_1309 : vector<16xf32>
        %add3A_1345 = arith.addf %mul3A_1344, %get3A_1312 : vector<16xf32>
        %add3A_1346 = arith.addf %mul3A_1342, %add3A_1345 : vector<16xf32>
        %min3A_1347 = arith.minimumf %min3A_1278, %add3A_1346 : vector<16xf32>
        %mul3A_1348 = vector.broadcast %mul3A_658 : f32 to vector<16xf32>
        %mul3A_1349 = arith.mulf %mul3A_1348, %get3A_1306 : vector<16xf32>
        %mul3A_1350 = vector.broadcast %mul3A_674 : f32 to vector<16xf32>
        %mul3A_1351 = arith.mulf %mul3A_1350, %get3A_1309 : vector<16xf32>
        %add3A_1352 = arith.addf %mul3A_1351, %get3A_1312 : vector<16xf32>
        %add3A_1353 = arith.addf %mul3A_1349, %add3A_1352 : vector<16xf32>
        %min3A_1354 = arith.minimumf %min3A_1285, %add3A_1353 : vector<16xf32>
        %mul3A_1355 = vector.broadcast %mul3A_660 : f32 to vector<16xf32>
        %mul3A_1356 = arith.mulf %mul3A_1355, %get3A_1306 : vector<16xf32>
        %mul3A_1357 = vector.broadcast %mul3A_676 : f32 to vector<16xf32>
        %mul3A_1358 = arith.mulf %mul3A_1357, %get3A_1309 : vector<16xf32>
        %add3A_1359 = arith.addf %mul3A_1358, %get3A_1312 : vector<16xf32>
        %add3A_1360 = arith.addf %mul3A_1356, %add3A_1359 : vector<16xf32>
        %min3A_1361 = arith.minimumf %min3A_1292, %add3A_1360 : vector<16xf32>
        %mul3A_1362 = vector.broadcast %mul3A_662 : f32 to vector<16xf32>
        %mul3A_1363 = arith.mulf %mul3A_1362, %get3A_1306 : vector<16xf32>
        %mul3A_1364 = vector.broadcast %mul3A_678 : f32 to vector<16xf32>
        %mul3A_1365 = arith.mulf %mul3A_1364, %get3A_1309 : vector<16xf32>
        %add3A_1366 = arith.addf %mul3A_1365, %get3A_1312 : vector<16xf32>
        %add3A_1367 = arith.addf %mul3A_1363, %add3A_1366 : vector<16xf32>
        %min3A_1368 = arith.minimumf %min3A_1299, %add3A_1367 : vector<16xf32>
        scf.yield %min3A_1319, %min3A_1326, %min3A_1333, %min3A_1340, %min3A_1347, %min3A_1354, %min3A_1361, %min3A_1368 : vector<16xf32>, vector<16xf32>, vector<16xf32>, vector<16xf32>, vector<16xf32>, vector<16xf32>, vector<16xf32>, vector<16xf32>
      }
      %scan3A_700 = arith.constant 256 : i32
      %xor3A_701 = arith.constant 1 : i32
      %xor3A_702 = vector.broadcast %xor3A_701 : i32 to vector<16xi32>
      %xor3A_703 = arith.xori %iota3A, %xor3A_702 : vector<16xi32>
      %lt3A_704 = arith.constant 0 : i32
      %lt3A_705 = vector.broadcast %lt3A_704 : i32 to vector<16xi32>
      %lt3A_706 = arith.cmpi slt, %xor3A_703, %lt3A_705 : vector<16xi32>
      %add3A_707 = arith.constant 16 : i32
      %add3A_708 = vector.broadcast %add3A_707 : i32 to vector<16xi32>
      %add3A_709 = arith.addi %xor3A_703, %add3A_708 : vector<16xi32>
      %select_n3A_710 = arith.select %lt3A_706, %add3A_709, %xor3A_703 : vector<16xi1>, vector<16xi32>
      %broadcast_in_dim3A_711 = vector.shape_cast %select_n3A_710 : vector<16xi32> to vector<16x1xi32>
      %gather3A_712 = vector.shape_cast %broadcast_in_dim3A_711 : vector<16x1xi32> to vector<16xi32>
      %gather3A_713 = tpu.dynamic_gather %scan3A_699#0[%gather3A_712] in [0] : vector<16xf32>, vector<16xi32> -> vector<16xf32>
      %min3A_714 = arith.minimumf %scan3A_699#0, %gather3A_713 : vector<16xf32>
      %xor3A_715 = arith.constant 2 : i32
      %xor3A_716 = vector.broadcast %xor3A_715 : i32 to vector<16xi32>
      %xor3A_717 = arith.xori %iota3A, %xor3A_716 : vector<16xi32>
      %lt3A_718 = arith.constant 0 : i32
      %lt3A_719 = vector.broadcast %lt3A_718 : i32 to vector<16xi32>
      %lt3A_720 = arith.cmpi slt, %xor3A_717, %lt3A_719 : vector<16xi32>
      %add3A_721 = arith.constant 16 : i32
      %add3A_722 = vector.broadcast %add3A_721 : i32 to vector<16xi32>
      %add3A_723 = arith.addi %xor3A_717, %add3A_722 : vector<16xi32>
      %select_n3A_724 = arith.select %lt3A_720, %add3A_723, %xor3A_717 : vector<16xi1>, vector<16xi32>
      %broadcast_in_dim3A_725 = vector.shape_cast %select_n3A_724 : vector<16xi32> to vector<16x1xi32>
      %gather3A_726 = vector.shape_cast %broadcast_in_dim3A_725 : vector<16x1xi32> to vector<16xi32>
      %gather3A_727 = tpu.dynamic_gather %min3A_714[%gather3A_726] in [0] : vector<16xf32>, vector<16xi32> -> vector<16xf32>
      %min3A_728 = arith.minimumf %min3A_714, %gather3A_727 : vector<16xf32>
      %xor3A_729 = arith.constant 4 : i32
      %xor3A_730 = vector.broadcast %xor3A_729 : i32 to vector<16xi32>
      %xor3A_731 = arith.xori %iota3A, %xor3A_730 : vector<16xi32>
      %lt3A_732 = arith.constant 0 : i32
      %lt3A_733 = vector.broadcast %lt3A_732 : i32 to vector<16xi32>
      %lt3A_734 = arith.cmpi slt, %xor3A_731, %lt3A_733 : vector<16xi32>
      %add3A_735 = arith.constant 16 : i32
      %add3A_736 = vector.broadcast %add3A_735 : i32 to vector<16xi32>
      %add3A_737 = arith.addi %xor3A_731, %add3A_736 : vector<16xi32>
      %select_n3A_738 = arith.select %lt3A_734, %add3A_737, %xor3A_731 : vector<16xi1>, vector<16xi32>
      %broadcast_in_dim3A_739 = vector.shape_cast %select_n3A_738 : vector<16xi32> to vector<16x1xi32>
      %gather3A_740 = vector.shape_cast %broadcast_in_dim3A_739 : vector<16x1xi32> to vector<16xi32>
      %gather3A_741 = tpu.dynamic_gather %min3A_728[%gather3A_740] in [0] : vector<16xf32>, vector<16xi32> -> vector<16xf32>
      %min3A_742 = arith.minimumf %min3A_728, %gather3A_741 : vector<16xf32>
      %xor3A_743 = arith.constant 8 : i32
      %xor3A_744 = vector.broadcast %xor3A_743 : i32 to vector<16xi32>
      %xor3A_745 = arith.xori %iota3A, %xor3A_744 : vector<16xi32>
      %lt3A_746 = arith.constant 0 : i32
      %lt3A_747 = vector.broadcast %lt3A_746 : i32 to vector<16xi32>
      %lt3A_748 = arith.cmpi slt, %xor3A_745, %lt3A_747 : vector<16xi32>
      %add3A_749 = arith.constant 16 : i32
      %add3A_750 = vector.broadcast %add3A_749 : i32 to vector<16xi32>
      %add3A_751 = arith.addi %xor3A_745, %add3A_750 : vector<16xi32>
      %select_n3A_752 = arith.select %lt3A_748, %add3A_751, %xor3A_745 : vector<16xi1>, vector<16xi32>
      %broadcast_in_dim3A_753 = vector.shape_cast %select_n3A_752 : vector<16xi32> to vector<16x1xi32>
      %gather3A_754 = vector.shape_cast %broadcast_in_dim3A_753 : vector<16x1xi32> to vector<16xi32>
      %gather3A_755 = tpu.dynamic_gather %min3A_742[%gather3A_754] in [0] : vector<16xf32>, vector<16xi32> -> vector<16xf32>
      %min3A_756 = arith.minimumf %min3A_742, %gather3A_755 : vector<16xf32>
      %mul3A_757 = arith.mulf %squeeze3A_616, %squeeze3A_616 : f32
      %mul3A_758 = arith.mulf %squeeze3A_632, %squeeze3A_632 : f32
      %add3A_759 = arith.addf %mul3A_757, %mul3A_758 : f32
      %add3A_760 = vector.broadcast %add3A_759 : f32 to vector<16xf32>
      %add3A_761 = arith.addf %min3A_756, %add3A_760 : vector<16xf32>
      %eq3A_762 = arith.constant 8 : i32
      %eq3A_763 = vector.broadcast %eq3A_762 : i32 to vector<16xi32>
      %eq3A_764 = arith.cmpi eq, %iota3A, %eq3A_763 : vector<16xi32>
      %select_n3A_765 = arith.select %eq3A_764, %add3A_761, %select_n3A_614 : vector<16xi1>, vector<16xf32>
      %xor3A_766 = arith.constant 1 : i32
      %xor3A_767 = vector.broadcast %xor3A_766 : i32 to vector<16xi32>
      %xor3A_768 = arith.xori %iota3A, %xor3A_767 : vector<16xi32>
      %lt3A_769 = arith.constant 0 : i32
      %lt3A_770 = vector.broadcast %lt3A_769 : i32 to vector<16xi32>
      %lt3A_771 = arith.cmpi slt, %xor3A_768, %lt3A_770 : vector<16xi32>
      %add3A_772 = arith.constant 16 : i32
      %add3A_773 = vector.broadcast %add3A_772 : i32 to vector<16xi32>
      %add3A_774 = arith.addi %xor3A_768, %add3A_773 : vector<16xi32>
      %select_n3A_775 = arith.select %lt3A_771, %add3A_774, %xor3A_768 : vector<16xi1>, vector<16xi32>
      %broadcast_in_dim3A_776 = vector.shape_cast %select_n3A_775 : vector<16xi32> to vector<16x1xi32>
      %gather3A_777 = vector.shape_cast %broadcast_in_dim3A_776 : vector<16x1xi32> to vector<16xi32>
      %gather3A_778 = tpu.dynamic_gather %scan3A_699#1[%gather3A_777] in [0] : vector<16xf32>, vector<16xi32> -> vector<16xf32>
      %min3A_779 = arith.minimumf %scan3A_699#1, %gather3A_778 : vector<16xf32>
      %xor3A_780 = arith.constant 2 : i32
      %xor3A_781 = vector.broadcast %xor3A_780 : i32 to vector<16xi32>
      %xor3A_782 = arith.xori %iota3A, %xor3A_781 : vector<16xi32>
      %lt3A_783 = arith.constant 0 : i32
      %lt3A_784 = vector.broadcast %lt3A_783 : i32 to vector<16xi32>
      %lt3A_785 = arith.cmpi slt, %xor3A_782, %lt3A_784 : vector<16xi32>
      %add3A_786 = arith.constant 16 : i32
      %add3A_787 = vector.broadcast %add3A_786 : i32 to vector<16xi32>
      %add3A_788 = arith.addi %xor3A_782, %add3A_787 : vector<16xi32>
      %select_n3A_789 = arith.select %lt3A_785, %add3A_788, %xor3A_782 : vector<16xi1>, vector<16xi32>
      %broadcast_in_dim3A_790 = vector.shape_cast %select_n3A_789 : vector<16xi32> to vector<16x1xi32>
      %gather3A_791 = vector.shape_cast %broadcast_in_dim3A_790 : vector<16x1xi32> to vector<16xi32>
      %gather3A_792 = tpu.dynamic_gather %min3A_779[%gather3A_791] in [0] : vector<16xf32>, vector<16xi32> -> vector<16xf32>
      %min3A_793 = arith.minimumf %min3A_779, %gather3A_792 : vector<16xf32>
      %xor3A_794 = arith.constant 4 : i32
      %xor3A_795 = vector.broadcast %xor3A_794 : i32 to vector<16xi32>
      %xor3A_796 = arith.xori %iota3A, %xor3A_795 : vector<16xi32>
      %lt3A_797 = arith.constant 0 : i32
      %lt3A_798 = vector.broadcast %lt3A_797 : i32 to vector<16xi32>
      %lt3A_799 = arith.cmpi slt, %xor3A_796, %lt3A_798 : vector<16xi32>
      %add3A_800 = arith.constant 16 : i32
      %add3A_801 = vector.broadcast %add3A_800 : i32 to vector<16xi32>
      %add3A_802 = arith.addi %xor3A_796, %add3A_801 : vector<16xi32>
      %select_n3A_803 = arith.select %lt3A_799, %add3A_802, %xor3A_796 : vector<16xi1>, vector<16xi32>
      %broadcast_in_dim3A_804 = vector.shape_cast %select_n3A_803 : vector<16xi32> to vector<16x1xi32>
      %gather3A_805 = vector.shape_cast %broadcast_in_dim3A_804 : vector<16x1xi32> to vector<16xi32>
      %gather3A_806 = tpu.dynamic_gather %min3A_793[%gather3A_805] in [0] : vector<16xf32>, vector<16xi32> -> vector<16xf32>
      %min3A_807 = arith.minimumf %min3A_793, %gather3A_806 : vector<16xf32>
      %xor3A_808 = arith.constant 8 : i32
      %xor3A_809 = vector.broadcast %xor3A_808 : i32 to vector<16xi32>
      %xor3A_810 = arith.xori %iota3A, %xor3A_809 : vector<16xi32>
      %lt3A_811 = arith.constant 0 : i32
      %lt3A_812 = vector.broadcast %lt3A_811 : i32 to vector<16xi32>
      %lt3A_813 = arith.cmpi slt, %xor3A_810, %lt3A_812 : vector<16xi32>
      %add3A_814 = arith.constant 16 : i32
      %add3A_815 = vector.broadcast %add3A_814 : i32 to vector<16xi32>
      %add3A_816 = arith.addi %xor3A_810, %add3A_815 : vector<16xi32>
      %select_n3A_817 = arith.select %lt3A_813, %add3A_816, %xor3A_810 : vector<16xi1>, vector<16xi32>
      %broadcast_in_dim3A_818 = vector.shape_cast %select_n3A_817 : vector<16xi32> to vector<16x1xi32>
      %gather3A_819 = vector.shape_cast %broadcast_in_dim3A_818 : vector<16x1xi32> to vector<16xi32>
      %gather3A_820 = tpu.dynamic_gather %min3A_807[%gather3A_819] in [0] : vector<16xf32>, vector<16xi32> -> vector<16xf32>
      %min3A_821 = arith.minimumf %min3A_807, %gather3A_820 : vector<16xf32>
      %mul3A_822 = arith.mulf %squeeze3A_618, %squeeze3A_618 : f32
      %mul3A_823 = arith.mulf %squeeze3A_634, %squeeze3A_634 : f32
      %add3A_824 = arith.addf %mul3A_822, %mul3A_823 : f32
      %add3A_825 = vector.broadcast %add3A_824 : f32 to vector<16xf32>
      %add3A_826 = arith.addf %min3A_821, %add3A_825 : vector<16xf32>
      %eq3A_827 = arith.constant 9 : i32
      %eq3A_828 = vector.broadcast %eq3A_827 : i32 to vector<16xi32>
      %eq3A_829 = arith.cmpi eq, %iota3A, %eq3A_828 : vector<16xi32>
      %select_n3A_830 = arith.select %eq3A_829, %add3A_826, %select_n3A_765 : vector<16xi1>, vector<16xf32>
      %xor3A_831 = arith.constant 1 : i32
      %xor3A_832 = vector.broadcast %xor3A_831 : i32 to vector<16xi32>
      %xor3A_833 = arith.xori %iota3A, %xor3A_832 : vector<16xi32>
      %lt3A_834 = arith.constant 0 : i32
      %lt3A_835 = vector.broadcast %lt3A_834 : i32 to vector<16xi32>
      %lt3A_836 = arith.cmpi slt, %xor3A_833, %lt3A_835 : vector<16xi32>
      %add3A_837 = arith.constant 16 : i32
      %add3A_838 = vector.broadcast %add3A_837 : i32 to vector<16xi32>
      %add3A_839 = arith.addi %xor3A_833, %add3A_838 : vector<16xi32>
      %select_n3A_840 = arith.select %lt3A_836, %add3A_839, %xor3A_833 : vector<16xi1>, vector<16xi32>
      %broadcast_in_dim3A_841 = vector.shape_cast %select_n3A_840 : vector<16xi32> to vector<16x1xi32>
      %gather3A_842 = vector.shape_cast %broadcast_in_dim3A_841 : vector<16x1xi32> to vector<16xi32>
      %gather3A_843 = tpu.dynamic_gather %scan3A_699#2[%gather3A_842] in [0] : vector<16xf32>, vector<16xi32> -> vector<16xf32>
      %min3A_844 = arith.minimumf %scan3A_699#2, %gather3A_843 : vector<16xf32>
      %xor3A_845 = arith.constant 2 : i32
      %xor3A_846 = vector.broadcast %xor3A_845 : i32 to vector<16xi32>
      %xor3A_847 = arith.xori %iota3A, %xor3A_846 : vector<16xi32>
      %lt3A_848 = arith.constant 0 : i32
      %lt3A_849 = vector.broadcast %lt3A_848 : i32 to vector<16xi32>
      %lt3A_850 = arith.cmpi slt, %xor3A_847, %lt3A_849 : vector<16xi32>
      %add3A_851 = arith.constant 16 : i32
      %add3A_852 = vector.broadcast %add3A_851 : i32 to vector<16xi32>
      %add3A_853 = arith.addi %xor3A_847, %add3A_852 : vector<16xi32>
      %select_n3A_854 = arith.select %lt3A_850, %add3A_853, %xor3A_847 : vector<16xi1>, vector<16xi32>
      %broadcast_in_dim3A_855 = vector.shape_cast %select_n3A_854 : vector<16xi32> to vector<16x1xi32>
      %gather3A_856 = vector.shape_cast %broadcast_in_dim3A_855 : vector<16x1xi32> to vector<16xi32>
      %gather3A_857 = tpu.dynamic_gather %min3A_844[%gather3A_856] in [0] : vector<16xf32>, vector<16xi32> -> vector<16xf32>
      %min3A_858 = arith.minimumf %min3A_844, %gather3A_857 : vector<16xf32>
      %xor3A_859 = arith.constant 4 : i32
      %xor3A_860 = vector.broadcast %xor3A_859 : i32 to vector<16xi32>
      %xor3A_861 = arith.xori %iota3A, %xor3A_860 : vector<16xi32>
      %lt3A_862 = arith.constant 0 : i32
      %lt3A_863 = vector.broadcast %lt3A_862 : i32 to vector<16xi32>
      %lt3A_864 = arith.cmpi slt, %xor3A_861, %lt3A_863 : vector<16xi32>
      %add3A_865 = arith.constant 16 : i32
      %add3A_866 = vector.broadcast %add3A_865 : i32 to vector<16xi32>
      %add3A_867 = arith.addi %xor3A_861, %add3A_866 : vector<16xi32>
      %select_n3A_868 = arith.select %lt3A_864, %add3A_867, %xor3A_861 : vector<16xi1>, vector<16xi32>
      %broadcast_in_dim3A_869 = vector.shape_cast %select_n3A_868 : vector<16xi32> to vector<16x1xi32>
      %gather3A_870 = vector.shape_cast %broadcast_in_dim3A_869 : vector<16x1xi32> to vector<16xi32>
      %gather3A_871 = tpu.dynamic_gather %min3A_858[%gather3A_870] in [0] : vector<16xf32>, vector<16xi32> -> vector<16xf32>
      %min3A_872 = arith.minimumf %min3A_858, %gather3A_871 : vector<16xf32>
      %xor3A_873 = arith.constant 8 : i32
      %xor3A_874 = vector.broadcast %xor3A_873 : i32 to vector<16xi32>
      %xor3A_875 = arith.xori %iota3A, %xor3A_874 : vector<16xi32>
      %lt3A_876 = arith.constant 0 : i32
      %lt3A_877 = vector.broadcast %lt3A_876 : i32 to vector<16xi32>
      %lt3A_878 = arith.cmpi slt, %xor3A_875, %lt3A_877 : vector<16xi32>
      %add3A_879 = arith.constant 16 : i32
      %add3A_880 = vector.broadcast %add3A_879 : i32 to vector<16xi32>
      %add3A_881 = arith.addi %xor3A_875, %add3A_880 : vector<16xi32>
      %select_n3A_882 = arith.select %lt3A_878, %add3A_881, %xor3A_875 : vector<16xi1>, vector<16xi32>
      %broadcast_in_dim3A_883 = vector.shape_cast %select_n3A_882 : vector<16xi32> to vector<16x1xi32>
      %gather3A_884 = vector.shape_cast %broadcast_in_dim3A_883 : vector<16x1xi32> to vector<16xi32>
      %gather3A_885 = tpu.dynamic_gather %min3A_872[%gather3A_884] in [0] : vector<16xf32>, vector<16xi32> -> vector<16xf32>
      %min3A_886 = arith.minimumf %min3A_872, %gather3A_885 : vector<16xf32>
      %mul3A_887 = arith.mulf %squeeze3A_620, %squeeze3A_620 : f32
      %mul3A_888 = arith.mulf %squeeze3A_636, %squeeze3A_636 : f32
      %add3A_889 = arith.addf %mul3A_887, %mul3A_888 : f32
      %add3A_890 = vector.broadcast %add3A_889 : f32 to vector<16xf32>
      %add3A_891 = arith.addf %min3A_886, %add3A_890 : vector<16xf32>
      %eq3A_892 = arith.constant 10 : i32
      %eq3A_893 = vector.broadcast %eq3A_892 : i32 to vector<16xi32>
      %eq3A_894 = arith.cmpi eq, %iota3A, %eq3A_893 : vector<16xi32>
      %select_n3A_895 = arith.select %eq3A_894, %add3A_891, %select_n3A_830 : vector<16xi1>, vector<16xf32>
      %xor3A_896 = arith.constant 1 : i32
      %xor3A_897 = vector.broadcast %xor3A_896 : i32 to vector<16xi32>
      %xor3A_898 = arith.xori %iota3A, %xor3A_897 : vector<16xi32>
      %lt3A_899 = arith.constant 0 : i32
      %lt3A_900 = vector.broadcast %lt3A_899 : i32 to vector<16xi32>
      %lt3A_901 = arith.cmpi slt, %xor3A_898, %lt3A_900 : vector<16xi32>
      %add3A_902 = arith.constant 16 : i32
      %add3A_903 = vector.broadcast %add3A_902 : i32 to vector<16xi32>
      %add3A_904 = arith.addi %xor3A_898, %add3A_903 : vector<16xi32>
      %select_n3A_905 = arith.select %lt3A_901, %add3A_904, %xor3A_898 : vector<16xi1>, vector<16xi32>
      %broadcast_in_dim3A_906 = vector.shape_cast %select_n3A_905 : vector<16xi32> to vector<16x1xi32>
      %gather3A_907 = vector.shape_cast %broadcast_in_dim3A_906 : vector<16x1xi32> to vector<16xi32>
      %gather3A_908 = tpu.dynamic_gather %scan3A_699#3[%gather3A_907] in [0] : vector<16xf32>, vector<16xi32> -> vector<16xf32>
      %min3A_909 = arith.minimumf %scan3A_699#3, %gather3A_908 : vector<16xf32>
      %xor3A_910 = arith.constant 2 : i32
      %xor3A_911 = vector.broadcast %xor3A_910 : i32 to vector<16xi32>
      %xor3A_912 = arith.xori %iota3A, %xor3A_911 : vector<16xi32>
      %lt3A_913 = arith.constant 0 : i32
      %lt3A_914 = vector.broadcast %lt3A_913 : i32 to vector<16xi32>
      %lt3A_915 = arith.cmpi slt, %xor3A_912, %lt3A_914 : vector<16xi32>
      %add3A_916 = arith.constant 16 : i32
      %add3A_917 = vector.broadcast %add3A_916 : i32 to vector<16xi32>
      %add3A_918 = arith.addi %xor3A_912, %add3A_917 : vector<16xi32>
      %select_n3A_919 = arith.select %lt3A_915, %add3A_918, %xor3A_912 : vector<16xi1>, vector<16xi32>
      %broadcast_in_dim3A_920 = vector.shape_cast %select_n3A_919 : vector<16xi32> to vector<16x1xi32>
      %gather3A_921 = vector.shape_cast %broadcast_in_dim3A_920 : vector<16x1xi32> to vector<16xi32>
      %gather3A_922 = tpu.dynamic_gather %min3A_909[%gather3A_921] in [0] : vector<16xf32>, vector<16xi32> -> vector<16xf32>
      %min3A_923 = arith.minimumf %min3A_909, %gather3A_922 : vector<16xf32>
      %xor3A_924 = arith.constant 4 : i32
      %xor3A_925 = vector.broadcast %xor3A_924 : i32 to vector<16xi32>
      %xor3A_926 = arith.xori %iota3A, %xor3A_925 : vector<16xi32>
      %lt3A_927 = arith.constant 0 : i32
      %lt3A_928 = vector.broadcast %lt3A_927 : i32 to vector<16xi32>
      %lt3A_929 = arith.cmpi slt, %xor3A_926, %lt3A_928 : vector<16xi32>
      %add3A_930 = arith.constant 16 : i32
      %add3A_931 = vector.broadcast %add3A_930 : i32 to vector<16xi32>
      %add3A_932 = arith.addi %xor3A_926, %add3A_931 : vector<16xi32>
      %select_n3A_933 = arith.select %lt3A_929, %add3A_932, %xor3A_926 : vector<16xi1>, vector<16xi32>
      %broadcast_in_dim3A_934 = vector.shape_cast %select_n3A_933 : vector<16xi32> to vector<16x1xi32>
      %gather3A_935 = vector.shape_cast %broadcast_in_dim3A_934 : vector<16x1xi32> to vector<16xi32>
      %gather3A_936 = tpu.dynamic_gather %min3A_923[%gather3A_935] in [0] : vector<16xf32>, vector<16xi32> -> vector<16xf32>
      %min3A_937 = arith.minimumf %min3A_923, %gather3A_936 : vector<16xf32>
      %xor3A_938 = arith.constant 8 : i32
      %xor3A_939 = vector.broadcast %xor3A_938 : i32 to vector<16xi32>
      %xor3A_940 = arith.xori %iota3A, %xor3A_939 : vector<16xi32>
      %lt3A_941 = arith.constant 0 : i32
      %lt3A_942 = vector.broadcast %lt3A_941 : i32 to vector<16xi32>
      %lt3A_943 = arith.cmpi slt, %xor3A_940, %lt3A_942 : vector<16xi32>
      %add3A_944 = arith.constant 16 : i32
      %add3A_945 = vector.broadcast %add3A_944 : i32 to vector<16xi32>
      %add3A_946 = arith.addi %xor3A_940, %add3A_945 : vector<16xi32>
      %select_n3A_947 = arith.select %lt3A_943, %add3A_946, %xor3A_940 : vector<16xi1>, vector<16xi32>
      %broadcast_in_dim3A_948 = vector.shape_cast %select_n3A_947 : vector<16xi32> to vector<16x1xi32>
      %gather3A_949 = vector.shape_cast %broadcast_in_dim3A_948 : vector<16x1xi32> to vector<16xi32>
      %gather3A_950 = tpu.dynamic_gather %min3A_937[%gather3A_949] in [0] : vector<16xf32>, vector<16xi32> -> vector<16xf32>
      %min3A_951 = arith.minimumf %min3A_937, %gather3A_950 : vector<16xf32>
      %mul3A_952 = arith.mulf %squeeze3A_622, %squeeze3A_622 : f32
      %mul3A_953 = arith.mulf %squeeze3A_638, %squeeze3A_638 : f32
      %add3A_954 = arith.addf %mul3A_952, %mul3A_953 : f32
      %add3A_955 = vector.broadcast %add3A_954 : f32 to vector<16xf32>
      %add3A_956 = arith.addf %min3A_951, %add3A_955 : vector<16xf32>
      %eq3A_957 = arith.constant 11 : i32
      %eq3A_958 = vector.broadcast %eq3A_957 : i32 to vector<16xi32>
      %eq3A_959 = arith.cmpi eq, %iota3A, %eq3A_958 : vector<16xi32>
      %select_n3A_960 = arith.select %eq3A_959, %add3A_956, %select_n3A_895 : vector<16xi1>, vector<16xf32>
      %xor3A_961 = arith.constant 1 : i32
      %xor3A_962 = vector.broadcast %xor3A_961 : i32 to vector<16xi32>
      %xor3A_963 = arith.xori %iota3A, %xor3A_962 : vector<16xi32>
      %lt3A_964 = arith.constant 0 : i32
      %lt3A_965 = vector.broadcast %lt3A_964 : i32 to vector<16xi32>
      %lt3A_966 = arith.cmpi slt, %xor3A_963, %lt3A_965 : vector<16xi32>
      %add3A_967 = arith.constant 16 : i32
      %add3A_968 = vector.broadcast %add3A_967 : i32 to vector<16xi32>
      %add3A_969 = arith.addi %xor3A_963, %add3A_968 : vector<16xi32>
      %select_n3A_970 = arith.select %lt3A_966, %add3A_969, %xor3A_963 : vector<16xi1>, vector<16xi32>
      %broadcast_in_dim3A_971 = vector.shape_cast %select_n3A_970 : vector<16xi32> to vector<16x1xi32>
      %gather3A_972 = vector.shape_cast %broadcast_in_dim3A_971 : vector<16x1xi32> to vector<16xi32>
      %gather3A_973 = tpu.dynamic_gather %scan3A_699#4[%gather3A_972] in [0] : vector<16xf32>, vector<16xi32> -> vector<16xf32>
      %min3A_974 = arith.minimumf %scan3A_699#4, %gather3A_973 : vector<16xf32>
      %xor3A_975 = arith.constant 2 : i32
      %xor3A_976 = vector.broadcast %xor3A_975 : i32 to vector<16xi32>
      %xor3A_977 = arith.xori %iota3A, %xor3A_976 : vector<16xi32>
      %lt3A_978 = arith.constant 0 : i32
      %lt3A_979 = vector.broadcast %lt3A_978 : i32 to vector<16xi32>
      %lt3A_980 = arith.cmpi slt, %xor3A_977, %lt3A_979 : vector<16xi32>
      %add3A_981 = arith.constant 16 : i32
      %add3A_982 = vector.broadcast %add3A_981 : i32 to vector<16xi32>
      %add3A_983 = arith.addi %xor3A_977, %add3A_982 : vector<16xi32>
      %select_n3A_984 = arith.select %lt3A_980, %add3A_983, %xor3A_977 : vector<16xi1>, vector<16xi32>
      %broadcast_in_dim3A_985 = vector.shape_cast %select_n3A_984 : vector<16xi32> to vector<16x1xi32>
      %gather3A_986 = vector.shape_cast %broadcast_in_dim3A_985 : vector<16x1xi32> to vector<16xi32>
      %gather3A_987 = tpu.dynamic_gather %min3A_974[%gather3A_986] in [0] : vector<16xf32>, vector<16xi32> -> vector<16xf32>
      %min3A_988 = arith.minimumf %min3A_974, %gather3A_987 : vector<16xf32>
      %xor3A_989 = arith.constant 4 : i32
      %xor3A_990 = vector.broadcast %xor3A_989 : i32 to vector<16xi32>
      %xor3A_991 = arith.xori %iota3A, %xor3A_990 : vector<16xi32>
      %lt3A_992 = arith.constant 0 : i32
      %lt3A_993 = vector.broadcast %lt3A_992 : i32 to vector<16xi32>
      %lt3A_994 = arith.cmpi slt, %xor3A_991, %lt3A_993 : vector<16xi32>
      %add3A_995 = arith.constant 16 : i32
      %add3A_996 = vector.broadcast %add3A_995 : i32 to vector<16xi32>
      %add3A_997 = arith.addi %xor3A_991, %add3A_996 : vector<16xi32>
      %select_n3A_998 = arith.select %lt3A_994, %add3A_997, %xor3A_991 : vector<16xi1>, vector<16xi32>
      %broadcast_in_dim3A_999 = vector.shape_cast %select_n3A_998 : vector<16xi32> to vector<16x1xi32>
      %gather3A_1000 = vector.shape_cast %broadcast_in_dim3A_999 : vector<16x1xi32> to vector<16xi32>
      %gather3A_1001 = tpu.dynamic_gather %min3A_988[%gather3A_1000] in [0] : vector<16xf32>, vector<16xi32> -> vector<16xf32>
      %min3A_1002 = arith.minimumf %min3A_988, %gather3A_1001 : vector<16xf32>
      %xor3A_1003 = arith.constant 8 : i32
      %xor3A_1004 = vector.broadcast %xor3A_1003 : i32 to vector<16xi32>
      %xor3A_1005 = arith.xori %iota3A, %xor3A_1004 : vector<16xi32>
      %lt3A_1006 = arith.constant 0 : i32
      %lt3A_1007 = vector.broadcast %lt3A_1006 : i32 to vector<16xi32>
      %lt3A_1008 = arith.cmpi slt, %xor3A_1005, %lt3A_1007 : vector<16xi32>
      %add3A_1009 = arith.constant 16 : i32
      %add3A_1010 = vector.broadcast %add3A_1009 : i32 to vector<16xi32>
      %add3A_1011 = arith.addi %xor3A_1005, %add3A_1010 : vector<16xi32>
      %select_n3A_1012 = arith.select %lt3A_1008, %add3A_1011, %xor3A_1005 : vector<16xi1>, vector<16xi32>
      %broadcast_in_dim3A_1013 = vector.shape_cast %select_n3A_1012 : vector<16xi32> to vector<16x1xi32>
      %gather3A_1014 = vector.shape_cast %broadcast_in_dim3A_1013 : vector<16x1xi32> to vector<16xi32>
      %gather3A_1015 = tpu.dynamic_gather %min3A_1002[%gather3A_1014] in [0] : vector<16xf32>, vector<16xi32> -> vector<16xf32>
      %min3A_1016 = arith.minimumf %min3A_1002, %gather3A_1015 : vector<16xf32>
      %mul3A_1017 = arith.mulf %squeeze3A_624, %squeeze3A_624 : f32
      %mul3A_1018 = arith.mulf %squeeze3A_640, %squeeze3A_640 : f32
      %add3A_1019 = arith.addf %mul3A_1017, %mul3A_1018 : f32
      %add3A_1020 = vector.broadcast %add3A_1019 : f32 to vector<16xf32>
      %add3A_1021 = arith.addf %min3A_1016, %add3A_1020 : vector<16xf32>
      %eq3A_1022 = arith.constant 12 : i32
      %eq3A_1023 = vector.broadcast %eq3A_1022 : i32 to vector<16xi32>
      %eq3A_1024 = arith.cmpi eq, %iota3A, %eq3A_1023 : vector<16xi32>
      %select_n3A_1025 = arith.select %eq3A_1024, %add3A_1021, %select_n3A_960 : vector<16xi1>, vector<16xf32>
      %xor3A_1026 = arith.constant 1 : i32
      %xor3A_1027 = vector.broadcast %xor3A_1026 : i32 to vector<16xi32>
      %xor3A_1028 = arith.xori %iota3A, %xor3A_1027 : vector<16xi32>
      %lt3A_1029 = arith.constant 0 : i32
      %lt3A_1030 = vector.broadcast %lt3A_1029 : i32 to vector<16xi32>
      %lt3A_1031 = arith.cmpi slt, %xor3A_1028, %lt3A_1030 : vector<16xi32>
      %add3A_1032 = arith.constant 16 : i32
      %add3A_1033 = vector.broadcast %add3A_1032 : i32 to vector<16xi32>
      %add3A_1034 = arith.addi %xor3A_1028, %add3A_1033 : vector<16xi32>
      %select_n3A_1035 = arith.select %lt3A_1031, %add3A_1034, %xor3A_1028 : vector<16xi1>, vector<16xi32>
      %broadcast_in_dim3A_1036 = vector.shape_cast %select_n3A_1035 : vector<16xi32> to vector<16x1xi32>
      %gather3A_1037 = vector.shape_cast %broadcast_in_dim3A_1036 : vector<16x1xi32> to vector<16xi32>
      %gather3A_1038 = tpu.dynamic_gather %scan3A_699#5[%gather3A_1037] in [0] : vector<16xf32>, vector<16xi32> -> vector<16xf32>
      %min3A_1039 = arith.minimumf %scan3A_699#5, %gather3A_1038 : vector<16xf32>
      %xor3A_1040 = arith.constant 2 : i32
      %xor3A_1041 = vector.broadcast %xor3A_1040 : i32 to vector<16xi32>
      %xor3A_1042 = arith.xori %iota3A, %xor3A_1041 : vector<16xi32>
      %lt3A_1043 = arith.constant 0 : i32
      %lt3A_1044 = vector.broadcast %lt3A_1043 : i32 to vector<16xi32>
      %lt3A_1045 = arith.cmpi slt, %xor3A_1042, %lt3A_1044 : vector<16xi32>
      %add3A_1046 = arith.constant 16 : i32
      %add3A_1047 = vector.broadcast %add3A_1046 : i32 to vector<16xi32>
      %add3A_1048 = arith.addi %xor3A_1042, %add3A_1047 : vector<16xi32>
      %select_n3A_1049 = arith.select %lt3A_1045, %add3A_1048, %xor3A_1042 : vector<16xi1>, vector<16xi32>
      %broadcast_in_dim3A_1050 = vector.shape_cast %select_n3A_1049 : vector<16xi32> to vector<16x1xi32>
      %gather3A_1051 = vector.shape_cast %broadcast_in_dim3A_1050 : vector<16x1xi32> to vector<16xi32>
      %gather3A_1052 = tpu.dynamic_gather %min3A_1039[%gather3A_1051] in [0] : vector<16xf32>, vector<16xi32> -> vector<16xf32>
      %min3A_1053 = arith.minimumf %min3A_1039, %gather3A_1052 : vector<16xf32>
      %xor3A_1054 = arith.constant 4 : i32
      %xor3A_1055 = vector.broadcast %xor3A_1054 : i32 to vector<16xi32>
      %xor3A_1056 = arith.xori %iota3A, %xor3A_1055 : vector<16xi32>
      %lt3A_1057 = arith.constant 0 : i32
      %lt3A_1058 = vector.broadcast %lt3A_1057 : i32 to vector<16xi32>
      %lt3A_1059 = arith.cmpi slt, %xor3A_1056, %lt3A_1058 : vector<16xi32>
      %add3A_1060 = arith.constant 16 : i32
      %add3A_1061 = vector.broadcast %add3A_1060 : i32 to vector<16xi32>
      %add3A_1062 = arith.addi %xor3A_1056, %add3A_1061 : vector<16xi32>
      %select_n3A_1063 = arith.select %lt3A_1059, %add3A_1062, %xor3A_1056 : vector<16xi1>, vector<16xi32>
      %broadcast_in_dim3A_1064 = vector.shape_cast %select_n3A_1063 : vector<16xi32> to vector<16x1xi32>
      %gather3A_1065 = vector.shape_cast %broadcast_in_dim3A_1064 : vector<16x1xi32> to vector<16xi32>
      %gather3A_1066 = tpu.dynamic_gather %min3A_1053[%gather3A_1065] in [0] : vector<16xf32>, vector<16xi32> -> vector<16xf32>
      %min3A_1067 = arith.minimumf %min3A_1053, %gather3A_1066 : vector<16xf32>
      %xor3A_1068 = arith.constant 8 : i32
      %xor3A_1069 = vector.broadcast %xor3A_1068 : i32 to vector<16xi32>
      %xor3A_1070 = arith.xori %iota3A, %xor3A_1069 : vector<16xi32>
      %lt3A_1071 = arith.constant 0 : i32
      %lt3A_1072 = vector.broadcast %lt3A_1071 : i32 to vector<16xi32>
      %lt3A_1073 = arith.cmpi slt, %xor3A_1070, %lt3A_1072 : vector<16xi32>
      %add3A_1074 = arith.constant 16 : i32
      %add3A_1075 = vector.broadcast %add3A_1074 : i32 to vector<16xi32>
      %add3A_1076 = arith.addi %xor3A_1070, %add3A_1075 : vector<16xi32>
      %select_n3A_1077 = arith.select %lt3A_1073, %add3A_1076, %xor3A_1070 : vector<16xi1>, vector<16xi32>
      %broadcast_in_dim3A_1078 = vector.shape_cast %select_n3A_1077 : vector<16xi32> to vector<16x1xi32>
      %gather3A_1079 = vector.shape_cast %broadcast_in_dim3A_1078 : vector<16x1xi32> to vector<16xi32>
      %gather3A_1080 = tpu.dynamic_gather %min3A_1067[%gather3A_1079] in [0] : vector<16xf32>, vector<16xi32> -> vector<16xf32>
      %min3A_1081 = arith.minimumf %min3A_1067, %gather3A_1080 : vector<16xf32>
      %mul3A_1082 = arith.mulf %squeeze3A_626, %squeeze3A_626 : f32
      %mul3A_1083 = arith.mulf %squeeze3A_642, %squeeze3A_642 : f32
      %add3A_1084 = arith.addf %mul3A_1082, %mul3A_1083 : f32
      %add3A_1085 = vector.broadcast %add3A_1084 : f32 to vector<16xf32>
      %add3A_1086 = arith.addf %min3A_1081, %add3A_1085 : vector<16xf32>
      %eq3A_1087 = arith.constant 13 : i32
      %eq3A_1088 = vector.broadcast %eq3A_1087 : i32 to vector<16xi32>
      %eq3A_1089 = arith.cmpi eq, %iota3A, %eq3A_1088 : vector<16xi32>
      %select_n3A_1090 = arith.select %eq3A_1089, %add3A_1086, %select_n3A_1025 : vector<16xi1>, vector<16xf32>
      %xor3A_1091 = arith.constant 1 : i32
      %xor3A_1092 = vector.broadcast %xor3A_1091 : i32 to vector<16xi32>
      %xor3A_1093 = arith.xori %iota3A, %xor3A_1092 : vector<16xi32>
      %lt3A_1094 = arith.constant 0 : i32
      %lt3A_1095 = vector.broadcast %lt3A_1094 : i32 to vector<16xi32>
      %lt3A_1096 = arith.cmpi slt, %xor3A_1093, %lt3A_1095 : vector<16xi32>
      %add3A_1097 = arith.constant 16 : i32
      %add3A_1098 = vector.broadcast %add3A_1097 : i32 to vector<16xi32>
      %add3A_1099 = arith.addi %xor3A_1093, %add3A_1098 : vector<16xi32>
      %select_n3A_1100 = arith.select %lt3A_1096, %add3A_1099, %xor3A_1093 : vector<16xi1>, vector<16xi32>
      %broadcast_in_dim3A_1101 = vector.shape_cast %select_n3A_1100 : vector<16xi32> to vector<16x1xi32>
      %gather3A_1102 = vector.shape_cast %broadcast_in_dim3A_1101 : vector<16x1xi32> to vector<16xi32>
      %gather3A_1103 = tpu.dynamic_gather %scan3A_699#6[%gather3A_1102] in [0] : vector<16xf32>, vector<16xi32> -> vector<16xf32>
      %min3A_1104 = arith.minimumf %scan3A_699#6, %gather3A_1103 : vector<16xf32>
      %xor3A_1105 = arith.constant 2 : i32
      %xor3A_1106 = vector.broadcast %xor3A_1105 : i32 to vector<16xi32>
      %xor3A_1107 = arith.xori %iota3A, %xor3A_1106 : vector<16xi32>
      %lt3A_1108 = arith.constant 0 : i32
      %lt3A_1109 = vector.broadcast %lt3A_1108 : i32 to vector<16xi32>
      %lt3A_1110 = arith.cmpi slt, %xor3A_1107, %lt3A_1109 : vector<16xi32>
      %add3A_1111 = arith.constant 16 : i32
      %add3A_1112 = vector.broadcast %add3A_1111 : i32 to vector<16xi32>
      %add3A_1113 = arith.addi %xor3A_1107, %add3A_1112 : vector<16xi32>
      %select_n3A_1114 = arith.select %lt3A_1110, %add3A_1113, %xor3A_1107 : vector<16xi1>, vector<16xi32>
      %broadcast_in_dim3A_1115 = vector.shape_cast %select_n3A_1114 : vector<16xi32> to vector<16x1xi32>
      %gather3A_1116 = vector.shape_cast %broadcast_in_dim3A_1115 : vector<16x1xi32> to vector<16xi32>
      %gather3A_1117 = tpu.dynamic_gather %min3A_1104[%gather3A_1116] in [0] : vector<16xf32>, vector<16xi32> -> vector<16xf32>
      %min3A_1118 = arith.minimumf %min3A_1104, %gather3A_1117 : vector<16xf32>
      %xor3A_1119 = arith.constant 4 : i32
      %xor3A_1120 = vector.broadcast %xor3A_1119 : i32 to vector<16xi32>
      %xor3A_1121 = arith.xori %iota3A, %xor3A_1120 : vector<16xi32>
      %lt3A_1122 = arith.constant 0 : i32
      %lt3A_1123 = vector.broadcast %lt3A_1122 : i32 to vector<16xi32>
      %lt3A_1124 = arith.cmpi slt, %xor3A_1121, %lt3A_1123 : vector<16xi32>
      %add3A_1125 = arith.constant 16 : i32
      %add3A_1126 = vector.broadcast %add3A_1125 : i32 to vector<16xi32>
      %add3A_1127 = arith.addi %xor3A_1121, %add3A_1126 : vector<16xi32>
      %select_n3A_1128 = arith.select %lt3A_1124, %add3A_1127, %xor3A_1121 : vector<16xi1>, vector<16xi32>
      %broadcast_in_dim3A_1129 = vector.shape_cast %select_n3A_1128 : vector<16xi32> to vector<16x1xi32>
      %gather3A_1130 = vector.shape_cast %broadcast_in_dim3A_1129 : vector<16x1xi32> to vector<16xi32>
      %gather3A_1131 = tpu.dynamic_gather %min3A_1118[%gather3A_1130] in [0] : vector<16xf32>, vector<16xi32> -> vector<16xf32>
      %min3A_1132 = arith.minimumf %min3A_1118, %gather3A_1131 : vector<16xf32>
      %xor3A_1133 = arith.constant 8 : i32
      %xor3A_1134 = vector.broadcast %xor3A_1133 : i32 to vector<16xi32>
      %xor3A_1135 = arith.xori %iota3A, %xor3A_1134 : vector<16xi32>
      %lt3A_1136 = arith.constant 0 : i32
      %lt3A_1137 = vector.broadcast %lt3A_1136 : i32 to vector<16xi32>
      %lt3A_1138 = arith.cmpi slt, %xor3A_1135, %lt3A_1137 : vector<16xi32>
      %add3A_1139 = arith.constant 16 : i32
      %add3A_1140 = vector.broadcast %add3A_1139 : i32 to vector<16xi32>
      %add3A_1141 = arith.addi %xor3A_1135, %add3A_1140 : vector<16xi32>
      %select_n3A_1142 = arith.select %lt3A_1138, %add3A_1141, %xor3A_1135 : vector<16xi1>, vector<16xi32>
      %broadcast_in_dim3A_1143 = vector.shape_cast %select_n3A_1142 : vector<16xi32> to vector<16x1xi32>
      %gather3A_1144 = vector.shape_cast %broadcast_in_dim3A_1143 : vector<16x1xi32> to vector<16xi32>
      %gather3A_1145 = tpu.dynamic_gather %min3A_1132[%gather3A_1144] in [0] : vector<16xf32>, vector<16xi32> -> vector<16xf32>
      %min3A_1146 = arith.minimumf %min3A_1132, %gather3A_1145 : vector<16xf32>
      %mul3A_1147 = arith.mulf %squeeze3A_628, %squeeze3A_628 : f32
      %mul3A_1148 = arith.mulf %squeeze3A_644, %squeeze3A_644 : f32
      %add3A_1149 = arith.addf %mul3A_1147, %mul3A_1148 : f32
      %add3A_1150 = vector.broadcast %add3A_1149 : f32 to vector<16xf32>
      %add3A_1151 = arith.addf %min3A_1146, %add3A_1150 : vector<16xf32>
      %eq3A_1152 = arith.constant 14 : i32
      %eq3A_1153 = vector.broadcast %eq3A_1152 : i32 to vector<16xi32>
      %eq3A_1154 = arith.cmpi eq, %iota3A, %eq3A_1153 : vector<16xi32>
      %select_n3A_1155 = arith.select %eq3A_1154, %add3A_1151, %select_n3A_1090 : vector<16xi1>, vector<16xf32>
      %xor3A_1156 = arith.constant 1 : i32
      %xor3A_1157 = vector.broadcast %xor3A_1156 : i32 to vector<16xi32>
      %xor3A_1158 = arith.xori %iota3A, %xor3A_1157 : vector<16xi32>
      %lt3A_1159 = arith.constant 0 : i32
      %lt3A_1160 = vector.broadcast %lt3A_1159 : i32 to vector<16xi32>
      %lt3A_1161 = arith.cmpi slt, %xor3A_1158, %lt3A_1160 : vector<16xi32>
      %add3A_1162 = arith.constant 16 : i32
      %add3A_1163 = vector.broadcast %add3A_1162 : i32 to vector<16xi32>
      %add3A_1164 = arith.addi %xor3A_1158, %add3A_1163 : vector<16xi32>
      %select_n3A_1165 = arith.select %lt3A_1161, %add3A_1164, %xor3A_1158 : vector<16xi1>, vector<16xi32>
      %broadcast_in_dim3A_1166 = vector.shape_cast %select_n3A_1165 : vector<16xi32> to vector<16x1xi32>
      %gather3A_1167 = vector.shape_cast %broadcast_in_dim3A_1166 : vector<16x1xi32> to vector<16xi32>
      %gather3A_1168 = tpu.dynamic_gather %scan3A_699#7[%gather3A_1167] in [0] : vector<16xf32>, vector<16xi32> -> vector<16xf32>
      %min3A_1169 = arith.minimumf %scan3A_699#7, %gather3A_1168 : vector<16xf32>
      %xor3A_1170 = arith.constant 2 : i32
      %xor3A_1171 = vector.broadcast %xor3A_1170 : i32 to vector<16xi32>
      %xor3A_1172 = arith.xori %iota3A, %xor3A_1171 : vector<16xi32>
      %lt3A_1173 = arith.constant 0 : i32
      %lt3A_1174 = vector.broadcast %lt3A_1173 : i32 to vector<16xi32>
      %lt3A_1175 = arith.cmpi slt, %xor3A_1172, %lt3A_1174 : vector<16xi32>
      %add3A_1176 = arith.constant 16 : i32
      %add3A_1177 = vector.broadcast %add3A_1176 : i32 to vector<16xi32>
      %add3A_1178 = arith.addi %xor3A_1172, %add3A_1177 : vector<16xi32>
      %select_n3A_1179 = arith.select %lt3A_1175, %add3A_1178, %xor3A_1172 : vector<16xi1>, vector<16xi32>
      %broadcast_in_dim3A_1180 = vector.shape_cast %select_n3A_1179 : vector<16xi32> to vector<16x1xi32>
      %gather3A_1181 = vector.shape_cast %broadcast_in_dim3A_1180 : vector<16x1xi32> to vector<16xi32>
      %gather3A_1182 = tpu.dynamic_gather %min3A_1169[%gather3A_1181] in [0] : vector<16xf32>, vector<16xi32> -> vector<16xf32>
      %min3A_1183 = arith.minimumf %min3A_1169, %gather3A_1182 : vector<16xf32>
      %xor3A_1184 = arith.constant 4 : i32
      %xor3A_1185 = vector.broadcast %xor3A_1184 : i32 to vector<16xi32>
      %xor3A_1186 = arith.xori %iota3A, %xor3A_1185 : vector<16xi32>
      %lt3A_1187 = arith.constant 0 : i32
      %lt3A_1188 = vector.broadcast %lt3A_1187 : i32 to vector<16xi32>
      %lt3A_1189 = arith.cmpi slt, %xor3A_1186, %lt3A_1188 : vector<16xi32>
      %add3A_1190 = arith.constant 16 : i32
      %add3A_1191 = vector.broadcast %add3A_1190 : i32 to vector<16xi32>
      %add3A_1192 = arith.addi %xor3A_1186, %add3A_1191 : vector<16xi32>
      %select_n3A_1193 = arith.select %lt3A_1189, %add3A_1192, %xor3A_1186 : vector<16xi1>, vector<16xi32>
      %broadcast_in_dim3A_1194 = vector.shape_cast %select_n3A_1193 : vector<16xi32> to vector<16x1xi32>
      %gather3A_1195 = vector.shape_cast %broadcast_in_dim3A_1194 : vector<16x1xi32> to vector<16xi32>
      %gather3A_1196 = tpu.dynamic_gather %min3A_1183[%gather3A_1195] in [0] : vector<16xf32>, vector<16xi32> -> vector<16xf32>
      %min3A_1197 = arith.minimumf %min3A_1183, %gather3A_1196 : vector<16xf32>
      %xor3A_1198 = arith.constant 8 : i32
      %xor3A_1199 = vector.broadcast %xor3A_1198 : i32 to vector<16xi32>
      %xor3A_1200 = arith.xori %iota3A, %xor3A_1199 : vector<16xi32>
      %lt3A_1201 = arith.constant 0 : i32
      %lt3A_1202 = vector.broadcast %lt3A_1201 : i32 to vector<16xi32>
      %lt3A_1203 = arith.cmpi slt, %xor3A_1200, %lt3A_1202 : vector<16xi32>
      %add3A_1204 = arith.constant 16 : i32
      %add3A_1205 = vector.broadcast %add3A_1204 : i32 to vector<16xi32>
      %add3A_1206 = arith.addi %xor3A_1200, %add3A_1205 : vector<16xi32>
      %select_n3A_1207 = arith.select %lt3A_1203, %add3A_1206, %xor3A_1200 : vector<16xi1>, vector<16xi32>
      %broadcast_in_dim3A_1208 = vector.shape_cast %select_n3A_1207 : vector<16xi32> to vector<16x1xi32>
      %gather3A_1209 = vector.shape_cast %broadcast_in_dim3A_1208 : vector<16x1xi32> to vector<16xi32>
      %gather3A_1210 = tpu.dynamic_gather %min3A_1197[%gather3A_1209] in [0] : vector<16xf32>, vector<16xi32> -> vector<16xf32>
      %min3A_1211 = arith.minimumf %min3A_1197, %gather3A_1210 : vector<16xf32>
      %mul3A_1212 = arith.mulf %squeeze3A_630, %squeeze3A_630 : f32
      %mul3A_1213 = arith.mulf %squeeze3A_646, %squeeze3A_646 : f32
      %add3A_1214 = arith.addf %mul3A_1212, %mul3A_1213 : f32
      %add3A_1215 = vector.broadcast %add3A_1214 : f32 to vector<16xf32>
      %add3A_1216 = arith.addf %min3A_1211, %add3A_1215 : vector<16xf32>
      %eq3A_1217 = arith.constant 15 : i32
      %eq3A_1218 = vector.broadcast %eq3A_1217 : i32 to vector<16xi32>
      %eq3A_1219 = arith.cmpi eq, %iota3A, %eq3A_1218 : vector<16xi32>
      %select_n3A_1220 = arith.select %eq3A_1219, %add3A_1216, %select_n3A_1155 : vector<16xi1>, vector<16xf32>
      %swap3A = arith.index_cast %mul3A_10 : i32 to index
      %swap3A_1221 = tpu.vector_load %arg13[%swap3A] {strides = array<i32>} : memref<128xf32, #tpu.memory_space<vmem>>, vector<16xf32>,
      %swap3A_1222 = vector.shape_cast %swap3A_1221 : vector<16xf32> to vector<16xf32>
      %swap3A_1223 = vector.shape_cast %select_n3A_1220 : vector<16xf32> to vector<16xf32>
      tpu.vector_store %arg13[%swap3A], %swap3A_1223 {strides = array<i32>} : memref<128xf32, #tpu.memory_space<vmem>>, vector<16xf32>,
    }
    %scan3A_7 = arith.constant 8 : i32
    "tpu.region"() ({
      %run_scoped3A = tpu.sem_alloc : memref<!tpu.dma_semaphore, #tpu.memory_space<semaphore_mem>>
      %dma_start3A = tpu.memref_slice %arg7[%mul3A_2] : memref<4096xf32, #tpu.memory_space<hbm>> -> memref<128xf32, #tpu.memory_space<hbm>>
      %dma_start3A_8 = tpu.memref_slice %arg7[%mul3A_2] : memref<4096xf32, #tpu.memory_space<hbm>> -> memref<128xf32, #tpu.memory_space<hbm>>
      tpu.enqueue_dma source(%arg13 : memref<128xf32, #tpu.memory_space<vmem>>) target(%dma_start3A_8 : memref<128xf32, #tpu.memory_space<hbm>>) target_semaphore(%run_scoped3A : memref<!tpu.dma_semaphore, #tpu.memory_space<semaphore_mem>>)
      %dma_wait3A = tpu.memref_slice %arg7[%mul3A_2] : memref<4096xf32, #tpu.memory_space<hbm>> -> memref<128xf32, #tpu.memory_space<hbm>>
      %dma_wait3A_9 = tpu.memref_slice %arg7[%mul3A_2] : memref<4096xf32, #tpu.memory_space<hbm>> -> memref<128xf32, #tpu.memory_space<hbm>>
      tpu.wait_dma2 semaphore(%run_scoped3A : memref<!tpu.dma_semaphore, #tpu.memory_space<semaphore_mem>>) src(%arg13 : memref<128xf32, #tpu.memory_space<vmem>>) dst(%dma_wait3A_9 : memref<128xf32, #tpu.memory_space<hbm>>)
      tpu.yield
    }) : () -> ()
    return
  }
}

module attributes {stable_mosaic.version = 14 : i64} {
  func.func @_tc_min_dist_kernel(%arg0: i32, %arg1: memref<2048x2xbf16, #tpu.memory_space<vmem>>, %arg2: memref<2x4096xbf16, #tpu.memory_space<vmem>>, %arg3: memref<2048xf32, #tpu.memory_space<vmem>>) attributes {dimension_semantics = [#tpu.dimension_semantics<arbitrary>], iteration_bounds = array<i64: 6>, scalar_prefetch = 0 : i64, scratch_operands = 0 : i64, tpu.core_type = #tpu.core_type<tc>, window_params = [{transform_indices = @transform_0, window_bounds = array<i64: 2048, 2>}, {pipeline_mode = #tpu.pipeline_mode<synchronous>, transform_indices = @transform_1, window_bounds = array<i64: 2, 4096>}, {transform_indices = @transform_2, window_bounds = array<i64: 2048>}]} {
    %get3A = arith.constant 0 : index
    %get3A_0 = arith.constant 0 : index
    %get3A_1 = vector.load %arg1[%get3A, %get3A_0] : memref<2048x2xbf16, #tpu.memory_space<vmem>>, vector<2048x2xbf16>
    %slice3A = vector.extract_strided_slice %get3A_1 {offsets = [0, 0], sizes = [2048, 1], strides = [1, 1]} : vector<2048x2xbf16> to vector<2048x1xbf16>
    %slice3A_2 = vector.extract_strided_slice %get3A_1 {offsets = [0, 1], sizes = [2048, 1], strides = [1, 1]} : vector<2048x2xbf16> to vector<2048x1xbf16>
    %get3A_3 = arith.constant 0 : index
    %get3A_4 = arith.constant 0 : index
    %get3A_5 = vector.load %arg2[%get3A_3, %get3A_4] : memref<2x4096xbf16, #tpu.memory_space<vmem>>, vector<1x4096xbf16>
    %get3A_6 = arith.constant 1 : index
    %get3A_7 = arith.constant 0 : index
    %get3A_8 = vector.load %arg2[%get3A_6, %get3A_7] : memref<2x4096xbf16, #tpu.memory_space<vmem>>, vector<1x4096xbf16>
    %sub3A = vector.broadcast %slice3A : vector<2048x1xbf16> to vector<2048x4096xbf16>
    %sub3A_9 = vector.broadcast %get3A_5 : vector<1x4096xbf16> to vector<2048x4096xbf16>
    %sub3A_10 = arith.subf %sub3A, %sub3A_9 : vector<2048x4096xbf16>
    %sub3A_11 = vector.broadcast %slice3A_2 : vector<2048x1xbf16> to vector<2048x4096xbf16>
    %sub3A_12 = vector.broadcast %get3A_8 : vector<1x4096xbf16> to vector<2048x4096xbf16>
    %sub3A_13 = arith.subf %sub3A_11, %sub3A_12 : vector<2048x4096xbf16>
    %mul3A = arith.mulf %sub3A_10, %sub3A_10 : vector<2048x4096xbf16>
    %mul3A_14 = arith.mulf %sub3A_13, %sub3A_13 : vector<2048x4096xbf16>
    %add3A = arith.addf %mul3A, %mul3A_14 : vector<2048x4096xbf16>
    %reduce_min3A = arith.constant dense<0x7F80> : vector<2048xbf16>
    %reduce_min3A_15 = vector.multi_reduction <minimumf>, %add3A, %reduce_min3A [1] : vector<2048x4096xbf16> to vector<2048xbf16>
    %convert_element_type3A = arith.extf %reduce_min3A_15 : vector<2048xbf16> to vector<2048xf32>
    %swap3A = arith.constant 0 : index
    %swap3A_16 = vector.load %arg3[%swap3A] : memref<2048xf32, #tpu.memory_space<vmem>>, vector<2048xf32>
    tpu.vector_store %arg3[%swap3A], %convert_element_type3A {strides = array<i32>} : memref<2048xf32, #tpu.memory_space<vmem>>, vector<2048xf32>,
    return
  }
  func.func @transform_0(%arg0: i32) -> (i32, i32) {
    %add3A = arith.constant 2 : i32
    %add3A_0 = arith.addi %arg0, %add3A : i32
    %c0_i32 = arith.constant 0 : i32
    %c0_i32_1 = arith.constant 0 : i32
    return %add3A_0, %c0_i32 : i32, i32
  }
  func.func @transform_1(%arg0: i32) -> (i32, i32) {
    %c0_i32 = arith.constant 0 : i32
    %c0_i32_0 = arith.constant 0 : i32
    %c0_i32_1 = arith.constant 0 : i32
    return %c0_i32, %c0_i32_0 : i32, i32
  }
  func.func @transform_2(%arg0: i32) -> i32 {
    %c0_i32 = arith.constant 0 : i32
    return %arg0 : i32
  }
}

</mosaic_0001>

<sc_bundles>
// kernel: kernel.4.cloned.1.call-start
scs
__scs_entry_jumppad:
0x0: {  	(pc) =	sbr.rel $0x88, $3  }
0x1: {  	(tag) =	ssettag $0x0;
	lr =	simm.s32 $0x1  }
0x2: {  	[smem:$0x3F9F] =	sst lr;
	_ =	strace $0xD0000000  }
0x3: {  	_ = 	snop  }
0x4: {  	_ = 	snop  }
0x5: {  	_ = 	snop  }
0x6: {  	_ = 	snop  }
0x7: {  	_ = 	snop  }
__scs_overlays_trampoline_lowered:
0x8: {  	[smem:$0x3FAE] =	sst s0  }
0x9: {  	[smem:$0x3FAF] =	sst s1  }
0xa: {  	[smem:$0x3FB0] =	sst s2  }
0xb: {  	[smem:$0x3FB1] =	sst s3  }
0xc: {  	[smem:$0x3FB2] =	sst s4  }
0xd: {  	[smem:$0x3FB3] =	sst s5  }
0xe: {  	[smem:$0x3FB4] =	sst s6  }
0xf: {  	[smem:$0x3FB5] =	sst s7  }
0x10: {  	[smem:$0x3FB6] =	sst s8  }
0x11: {  	[smem:$0x3FB7] =	sst s9;
	s0 =	simm.s32 @!p0 $0x0  }
0x12: {  	s1 =	sld [smem:$0x3F9D];
	s0 =	simm.s32 @p0 $0x1  }
0x13: {  	[smem:$0x3FB8] =	sst s0;
	s0 =	simm.s32 @!p1 $0x0  }
0x14: {  	s2 =	sld [smem:$0x3F9C];
	s0 =	simm.s32 @p1 $0x1  }
0x15: {  	[smem:$0x3FB9] =	sst s0;
	s0 =	simm.s32 @!p2 $0x0  }
0x16: {  	s3 =	sld [smem:$0x3FDB];
	s0 =	simm.s32 @p2 $0x1  }
0x17: {  	s4 =	simm.s32 $0x1BF5;
	[smem:$0x3FBB] =	sst s0  }
0x18: {  	s0 =	sld [smem:$0x3F9E];
	_ =	swait.ge [sflag:s4], $0x0  }
0x19: {  	s7 =	sld [smem:$0x3F9F]  }
0x1a: {  	s8 =	sadd.s32 $0xFFFFE003, lr  }
0x1b: {  	s9 =	sadd.s32 $0xFFFFFEF7, lr;
	s5 =	simm.s32 $0xFFFFFFFF;
	p2 =	slt.u32 s8, $0xFFFFF086  }
0x1c: {  	p1 =	slt.u32 s9, $0xF7A;
	s5 =	simm.s32 @!p2 $0x0  }
0x1d: {  	s5 =	simm.s32 @p1 $0x1;
	p0 =	seq.s32 s7, s2  }
0x1e: {  	s7 =	smul.u32 @!p0 $0xF7A, s2;
	p2 =	seq.s32 @!p0 s5, $0x0  }
0x1f: {  	s9 =	smul.u32 $0xF7A, s1;
	s8 =	simm.s32 @!p0 $0x1BF5;
	p2 =	por !p2, p0  }
0x20: {  	[sflag:s8] =	ssyncset.s32 @!p0 $0xFFFFF086;
	s6 =	sadd.s32 @!p0 s3, s7;
	s7 =	simm.s32 @!p0 $0x108  }
0x21: {  	s3 =	sadd.s32 s3, s9;
	s6 =	sadd.s32 @!p0 $0x88, s6;
	s7 =	simm.s32 @p2 $0x1082  }
0x22: {  	[simem:s7], [sflag:s8] =	dma.local @!p0 [hbm:s6], $0xF7A  }
0x23: {  	s9 =	sor.u32 $0xD0000000, s2;
	s6 =	simm.s32 $0x108;
	_ =	swait.ge @!p0 [sflag:s8], $0x0  }
0x24: {  	s3 =	sadd.s32 $0x88, s3;
	s6 =	simm.s32 @!p1 $0x1082;
	[sflag:s4] =	ssyncset.s32 $0xFFFFF086  }
0x25: {  	[simem:s6], [sflag:s4] =	dma.local [hbm:s3], $0xF7A  }
0x26: {  	[smem:$0x3F9F] =	sst s1;
	(tag) =	ssettag s2;
	_ =	strace s9  }
0x27: {  	s1 =	sld [smem:$0x3FAF]  }
0x28: {  	s2 =	sld [smem:$0x3FB0]  }
0x29: {  	s4 =	sld [smem:$0x3FB2]  }
0x2a: {  	p0 =	seq.s32 s5, $0x0;
	s5 =	sld [smem:$0x3FB3]  }
0x2b: {  	s6 =	sld [smem:$0x3FB4]  }
0x2c: {  	s7 =	sld [smem:$0x3FB5]  }
0x2d: {  	s3 =	simm.s32 $0x108;
	s8 =	sld [smem:$0x3FB6]  }
0x2e: {  	s3 =	simm.s32 @!p0 $0x1082;
	s9 =	sld [smem:$0x3FB7]  }
0x2f: {  	lr =	sadd.s32 s0, s3;
	s0 =	sld [smem:$0x3FAE]  }
0x30: {  	s3 =	sld [smem:$0x3FB1]  }
0x31: {  	[smem:$0x3FBA] =	sst s10  }
0x32: {  	s10 =	sld [smem:$0x3FB8];
	_ =	sdelay $0x3  }
0x33: {  	p0 =	seq.s32 s10, $0x1;
	s10 =	sld [smem:$0x3FBA];
	_ =	sdelay $0x3  }
0x34: {  	[smem:$0x3FBA] =	sst s10  }
0x35: {  	s10 =	sld [smem:$0x3FB9];
	_ =	sdelay $0x3  }
0x36: {  	p1 =	seq.s32 s10, $0x1;
	s10 =	sld [smem:$0x3FBA];
	_ =	sdelay $0x3  }
0x37: {  	[smem:$0x3FBA] =	sst s10  }
0x38: {  	s10 =	sld [smem:$0x3FBB]  }
0x39: {  	_ = 	snop;
	(pc) =	sbr.ind lr, $3  }
0x3a: {  	_ = 	snop  }
0x3b: {  	_ = 	snop  }
0x3c: {  	p2 =	seq.s32 s10, $0x1;
	s10 =	sld [smem:$0x3FBA]  }
0x3d: {  	_ =	shalt  }
0x3e: {  	_ =	shalt  }
0x3f: {  	_ =	shalt  }
0x40: {  	_ =	shalt  }
0x41: {  	_ =	shalt  }
0x42: {  	_ =	shalt  }
0x43: {  	_ =	shalt  }
0x44: {  	_ =	shalt  }
0x45: {  	_ =	shalt  }
0x46: {  	_ =	shalt  }
0x47: {  	_ =	shalt  }
0x48: {  	_ =	shalt  }
0x49: {  	_ =	shalt  }
0x4a: {  	_ =	shalt  }
0x4b: {  	_ =	shalt  }
0x4c: {  	_ =	shalt  }
0x4d: {  	_ =	shalt  }
0x4e: {  	_ =	shalt  }
0x4f: {  	_ =	shalt  }
0x50: {  	_ =	shalt  }
0x51: {  	_ =	shalt  }
0x52: {  	_ =	shalt  }
0x53: {  	_ =	shalt  }
0x54: {  	_ =	shalt  }
0x55: {  	_ =	shalt  }
0x56: {  	_ =	shalt  }
0x57: {  	_ =	shalt  }
0x58: {  	_ =	shalt  }
0x59: {  	_ =	shalt  }
0x5a: {  	_ =	shalt  }
0x5b: {  	_ =	shalt  }
0x5c: {  	_ =	shalt  }
0x5d: {  	_ =	shalt  }
0x5e: {  	_ =	shalt  }
0x5f: {  	_ =	shalt  }
0x60: {  	_ =	shalt  }
0x61: {  	_ =	shalt  }
0x62: {  	_ =	shalt  }
0x63: {  	_ =	shalt  }
0x64: {  	_ =	shalt  }
0x65: {  	_ =	shalt  }
0x66: {  	_ =	shalt  }
0x67: {  	_ =	shalt  }
0x68: {  	_ =	shalt  }
0x69: {  	_ =	shalt  }
0x6a: {  	_ =	shalt  }
0x6b: {  	_ =	shalt  }
0x6c: {  	_ =	shalt  }
0x6d: {  	_ =	shalt  }
0x6e: {  	_ =	shalt  }
0x6f: {  	_ =	shalt  }
0x70: {  	_ =	shalt  }
0x71: {  	_ =	shalt  }
0x72: {  	_ =	shalt  }
0x73: {  	_ =	shalt  }
0x74: {  	_ =	shalt  }
0x75: {  	_ =	shalt  }
0x76: {  	_ =	shalt  }
0x77: {  	_ =	shalt  }
0x78: {  	_ =	shalt  }
0x79: {  	_ =	shalt  }
0x7a: {  	_ =	shalt  }
0x7b: {  	_ =	shalt  }
0x7c: {  	_ =	shalt  }
0x7d: {  	_ =	shalt  }
0x7e: {  	_ =	shalt  }
0x7f: {  	_ =	shalt  }
0x80: {  	_ =	shalt  }
0x81: {  	_ =	shalt  }
0x82: {  	_ =	shalt  }
0x83: {  	_ =	shalt  }
0x84: {  	_ =	shalt  }
0x85: {  	_ =	shalt  }
0x86: {  	_ =	shalt  }
0x87: {  	_ =	shalt  }
.Lfunc_end0:
.L_simem_size_0:
called_computation_lowered:
.L_overlay_start_0:
0x88: {  	s2 =	sld [smem:$0x3FD9]  }
0x89: {  	s3 =	sld [smem:$0x3FFE];
	_ =	sdelay $0x1  }
0x8a: {  	s1 =	srdreg.scid  }
0x8b: {  	s0 =	sand.u32 $0x1, s1  }
0x8c: {  	s17 =	sshll.u32 s0, $0xA;
	s2 =	sadd.s32 s3, s2  }
0x8d: {  	s2 =	sadd.s32 s2, s17  }
0x8e: {  	[smem:$0x3FC6] =	sst s2  }
0x8f: {  	_ = 	snop  }
0x90: {  	s2 =	sld [smem:$0x3FD0];
	(tm) =	ssettm $0x1  }
0x91: {  	s18 =	sld [smem:$0x3FFB];
	_ =	sdelay $0x3  }
0x92: {  	_ =	strace s18  }
0x93: {  	s3 =	sld [smem:$0x3FFC];
	_ =	sdelay $0x3  }
0x94: {  	_ =	strace s3  }
0x95: {  	s3 =	sld [smem:$0x3FFD];
	_ =	sdelay $0x3  }
0x96: {  	_ =	strace s3  }
0x97: {  	_ =	strace $0x8FFFFFFF  }
0x98: {  	s19 =	sld [smem:$0x3FDB];
	_ =	sdelay $0x1  }
0x99: {  	s4 =	simm.s32 $_scs_section_size  }
0x9a: {  	s5 =	simm.s32 $_size__tile_overlayer_lowered;
	s6 =	simm.s32 $_tile_overlayer_lowered  }
0x9b: {  	s22 =	simm.s32 $0x1BFF;
	s21 =	sshll.u32 s6, $0x1;
	s3 =	sadd.s32 s4, s19  }
0x9c: {  	s7 =	simm.s32 $0x0;
	s20 =	sshll.u32 s5, $0x1;
	s5 =	sadd.s32 s21, s3  }
0x9d: {  	[timem:s7], [sflag:s22] =	dma.local [hbm:s5], s20  }
0x9e: {  	_ =	swait.ge [sflag:s22], s20  }
0x9f: {  	s4 =	ssub.s32 $0x0, s20;
	[sflag:s22] =	ssyncset.done $0x0  }
0xa0: {  	[sflag:s22] =	ssyncadd.s32 s4;
	_ =	sdelay $0x1  }
0xa1: {  	s23 =	simm.s32 $0x1B8B  }
0xa2: {  	_ =	swait.ge [sflag:s23], $0x1  }
0xa3: {  	[sflag:s23] =	ssyncset.done $0x0  }
0xa4: {  	s25 =	simm.s32 $0x1B8E;
	s24 =	sld [smem:$0x3FFE];
	[sflag:s23] =	ssyncadd.s32 $0xFFFFFFFF  }
0xa5: {  	s26 =	simm.s32 $execute0_lowered;
	[smem:$0x3FD2] =	sst s25  }
0xa6: {  	s5 =	sshll.u32 s26, $0x1;
	_ =	strace $0x80000046;
	[dreg:$0x1] =	wrdreg $0xFFFFFFFF  }
0xa7: {  	s28 =	simm.s32 $_size_execute0_lowered;
	s3 =	sadd.s32 s3, s5;
	[dreg:$0x0] =	wrdreg $0x0  }
0xa8: {  	s5 =	sshll.u32 s28, $0x1;
	[dreg:$0x2] =	wrdreg s3  }
0xa9: {  	[dreg:$0x3] =	wrdreg s5  }
0xaa: {  	[dreg:$0x4] =	wrdreg $0xC0  }
0xab: {  	_ =	task [dreg:s7], $0x5FFFF  }
0xac: {  	[dreg:$0x1] =	wrdreg $0xFFFFFFFF  }
0xad: {  	[dreg:$0x0] =	wrdreg $0x60  }
0xae: {  	[dreg:$0x2] =	wrdreg s24  }
0xaf: {  	[dreg:$0x3] =	wrdreg s2  }
0xb0: {  	[dreg:$0x4] =	wrdreg $0x9  }
0xb1: {  	_ =	task.clear_ibuf [dreg:s7], $0x5FFFF;
	_ =	strace $0x90000046  }
0xb2: {  	s29 =	simm.s32 $0x9;
	_ =	strace $0x80000048  }
0xb3: {  	_ =	swait.ge [sflag:s29], $0x1  }
0xb4: {  	[sflag:s29] =	ssyncadd.s32 $0xFFFFFFFF  }
0xb5: {  	_ =	strace $0x90000048  }
0xb6: {  	_ =	sfence  }
0xb7: {  	s30 =	sld [smem:$0x0];
	_ =	sdelay $0x2  }
0xb8: {  	s31 =	sshll.u32 s1, $0xD;
	s1 =	sshrl.u32 s1, $0x2  }
0xb9: {  	s3 =	sand.u32 $0x4000, s31;
	s1 =	sadd.s32 s1, s30  }
0xba: {  	s0 =	sor.u32 s3, s0;
	s1 =	sshll.u32 s1, $0x11  }
0xbb: {  	s0 =	sor.u32 s1, s0  }
0xbc: {  	s0 =	sadd.s32 $0x8F2B, s0  }
0xbd: {  	[sflag:s0] =	ssyncadd.remote.s32 $0x1  }
0xbe: {  	_ =	sfence.sel $0xFFFF  }
0xbf: {  	[dreg:$0x0] =	wrdreg $0xFFFFFFFF;
	(pc) =	sbr.abs _section_cstart, $3  }
0xc0: {  	[dreg:$0x1] =	wrdreg $0xFFFFFFFF  }
0xc1: {  	_ =	task.clear_ibuf [dreg:s7], $0x2FFFF;
	_ =	strace $0x9FFFFFFF  }
0xc2: {  	(tm) =	ssettm $0x7FFFFFFF  }
0xc3: {  	_ =	shalt  }
tec
execute0_lowered:
.L_overlay_start_1:
0x0: {  	(tag) =	ssettag $0x1  }
0x1: {  	v0 =	vimm.s32 $0xEFCDAB89;
	s0 =	rddreg [dreg:$0x0]  }
0x2: {  	v1 =	vimm.s32 $0x67452301;
	v2 =	vimm.s32 $0xDCFE98BA;
	s1 =	rddreg [dreg:$0x1];
	v3 =	vimm.s32 $0x54761032  }
0x3: {  	s5 =	simm.s32 $0x0;
	s2 =	srdreg.scid;
	s3 =	stileid.u32;
	v4 =	vimm.s32 $0xBA98FEDC;
	v5 =	vimm.s32 $0x32107654;
	v6 =	vimm.s32 $0xFEDCBA98  }
0x4: {  	v7 =	vimm.s32 $0x76543210;
	v0 =	vunpack.c.l.s4.s8 v0;
	v1 =	vunpack.c.l.s4.s8 v1;
	[smem:$0x7FF] =	sst s5;
	s2 =	sand.u32 $0x1, s2;
	s4 =	sadd.s32 $0x1400, s0  }
0x5: {  	v2 =	vunpack.c.l.s4.s8 v2;
	v3 =	vunpack.c.l.s4.s8 v3;
	s3 =	sshll.u32 s3, $0x5;
	v4 =	vunpack.c.l.s4.s8 v4;
	s6 =	sadd.s32 $0x1200, s0;
	s28 =	sadd.s32 $0x1600, s0  }
0x6: {  	v5 =	vunpack.c.l.s4.s8 v5;
	v6 =	vunpack.c.l.s4.s8 v6;
	v7 =	vunpack.c.l.s4.s8 v7;
	_ =	strace $0x80000047;
	[dreg:$0x3] =	wrdreg s4;
	s26 =	sshll.u32 s2, $0x4  }
0x7: {  	[dreg:$0x4] =	wrdreg s6;
	s2 =	ssub.s32 $0x2, s2;
	v0 =	vunpack.c.0.s8.s32 v0;
	v1 =	vunpack.c.0.s8.s32 v1;
	v2 =	vunpack.c.0.s8.s32 v2;
	s3 =	sor.u32 s26, s3  }
0x8: {  	[dreg:$0x5] =	wrdreg s28;
	v3 =	vunpack.c.0.s8.s32 v3;
	v4 =	vunpack.c.0.s8.s32 v4;
	v5 =	vunpack.c.0.s8.s32 v5;
	s0 =	sadd.s32 s3, s0;
	s1 =	sadd.s32 s1, s3  }
0x9: {  	s29 =	sshrl.u32 s2, $0x1;
	v0 =	vcombine.low v1, v0;
	s30 =	sadd.s32 $0x1000, s0;
	[dreg:$0x7] =	wrdreg s1;
	v1 =	vunpack.c.0.s8.s32 v6  }
0xa: {  	s2 =	ssub.s32 s2, s29;
	v2 =	vcombine.low v3, v2;
	v3 =	vcombine.low v5, v4;
	s0 =	sadd.s32 $0x1800, s0;
	v4 =	vunpack.c.0.s8.s32 v7;
	[dreg:$0x6] =	wrdreg s30  }
0xb: {  	s31 =	smax.u32 s2, $0x1;
	[dreg:$0x8] =	wrdreg s0;
	v0 =	vand.u32 $0xF, v0;
	v5 =	vand.u32 $0xF, v1  }
0xc: {  	s1 =	simm.s32 $0x1;
	s2 =	simm.s32 $0x0;
	[dreg:$0x9] =	wrdreg s31;
	v1 =	vand.u32 $0xF, v2;
	v2 =	vand.u32 $0xF, v3;
	v3 =	vcombine.low v5, v4  }
.LBB2_1:
0xd: {  	[dreg:$0xa] =	wrdreg s2  }
0xe: {  	s0 =	rddreg [dreg:$0x6]  }
0xf: {  	[tilespmem:s5], [sflag:$0x1] =	stream.linear.gather [hbm4b:s0+s5], $0x80, $0x38;
	[tilespmem:$0x3180] =	vst v63  }
0x10: {  	_ =	swait.ge [sflag:s1], $0x80  }
0x11: {  	[sflag:s1] =	ssyncset.done $0x0  }
0x12: {  	s24 =	simm.s32 $0x80;
	s23 =	rddreg [dreg:$0x7];
	[sflag:s1] =	ssyncadd.s32 $0xFFFFFF80  }
0x13: {  	[tilespmem:s24], [sflag:$0x1] =	stream.linear.gather [hbm4b:s23+s5], $0x80, $0x38;
	[tilespmem:$0x3180] =	vst v63  }
0x14: {  	_ =	swait.ge [sflag:s1], $0x80  }
0x15: {  	[sflag:s1] =	ssyncset.done $0x0  }
0x16: {  	s26 =	simm.s32 $0x100;
	s25 =	rddreg [dreg:$0x3];
	[sflag:s1] =	ssyncadd.s32 $0xFFFFFF80  }
0x17: {  	[tilespmem:s26], [sflag:$0x1] =	stream.linear.gather [hbm4b:s25+s5], $0x1000, $0x38;
	[tilespmem:$0x3180] =	vst v63  }
0x18: {  	_ =	swait.ge [sflag:s1], $0x1000  }
0x19: {  	[sflag:s1] =	ssyncset.done $0x0  }
0x1a: {  	s29 =	simm.s32 $0x1100;
	s28 =	rddreg [dreg:$0x4];
	[sflag:s1] =	ssyncadd.s32 $0xFFFFF000  }
0x1b: {  	[tilespmem:s29], [sflag:$0x1] =	stream.linear.gather [hbm4b:s28+s5], $0x1000, $0x38;
	[tilespmem:$0x3180] =	vst v63  }
0x1c: {  	_ =	swait.ge [sflag:s1], $0x1000  }
0x1d: {  	[sflag:s1] =	ssyncset.done $0x0  }
0x1e: {  	s31 =	simm.s32 $0x2100;
	s30 =	rddreg [dreg:$0x5];
	[sflag:s1] =	ssyncadd.s32 $0xFFFFF000  }
0x1f: {  	[tilespmem:s31], [sflag:$0x1] =	stream.linear.gather [hbm4b:s30+s5], $0x1000, $0x38;
	[tilespmem:$0x3180] =	vst v63  }
0x20: {  	_ =	swait.ge [sflag:s1], $0x1000  }
0x21: {  	[sflag:s1] =	ssyncset.done $0x0  }
0x22: {  	s17 =	simm.s32 $0x0;
	[sflag:s1] =	ssyncadd.s32 $0xFFFFF000  }
.LBB2_2:
0x23: {  	s0 =	sshll.u32 s17, $0x4  }
0x24: {  	v5 =	vld [tilespmem:s0+$0x0];
	_ =	sdelay $0x4  }
0x25: {  	(v2sf) =	vpush v5, $0x0  }
0x26: {  	(v2sf) =	vpush v5, $0x1  }
0x27: {  	(v2sf) =	vpush v5, $0x2;
	_ =	sdelay $0x1  }
0x28: {  	(v2sf) =	vpush v5, $0x3  }
0x29: {  	v4 =	vld [tilespmem:s0+$0x80];
	(v2sf) =	vpush v5, $0x4  }
0x2a: {  	(v2sf) =	vpush v5, $0x5;
	_ =	sdelay $0x1  }
0x2b: {  	(v2sf) =	vpush v5, $0x6  }
0x2c: {  	(v2sf) =	vpush v5, $0x7  }
0x2d: {  	(v2sf) =	vpush v4, $0x0  }
0x2e: {  	(v2sf) =	vpush v4, $0x1  }
0x2f: {  	(v2sf) =	vpush v4, $0x2  }
0x30: {  	(v2sf) =	vpush v4, $0x3;
	_ =	sdelay $0x1  }
0x31: {  	s19 =	spop (v2sf)  }
0x32: {  	[dreg:$0xb] =	wrdreg s0;
	(v2sf) =	vpush v4, $0x4;
	s3 =	spop (v2sf)  }
0x33: {  	s14 =	simm.s32 $0x110;
	s1 =	smul.f32 $-2.000000000e+00, s19;
	s2 =	spop (v2sf)  }
0x34: {  	v29 =	vld [tilespmem:s14+$0x0];
	(v2sf) =	vpush v4, $0x5;
	[dreg:$0x13] =	wrdreg s3;
	s3 =	smul.f32 $-2.000000000e+00, s3  }
0x35: {  	v31 =	vld [tilespmem:s14+$0xFFFFFFF0];
	s5 =	spop (v2sf);
	s4 =	smul.f32 $-2.000000000e+00, s2  }
0x36: {  	(v2sf) =	vpush v4, $0x6;
	s6 =	spop (v2sf);
	[dreg:$0x10] =	wrdreg s5  }
0x37: {  	(v2sf) =	vpush v4, $0x7;
	s5 =	smul.f32 $-2.000000000e+00, s5;
	s20 =	spop (v2sf)  }
0x38: {  	[dreg:$0x11] =	wrdreg s6;
	s6 =	smul.f32 $-2.000000000e+00, s6  }
0x39: {  	s13 =	simm.s32 $0x1110;
	v24 =	vimm.f32 $3.000000010e+38;
	v6 =	vmov s1;
	v8 =	vmov s3;
	s16 =	spop (v2sf);
	s7 =	smul.f32 $-2.000000000e+00, s20  }
0x3a: {  	v26 =	vld [tilespmem:s13+$0xFFFFFFF0];
	v59 =	vmul.f32 v29, v6;
	v10 =	vmov s4;
	v60 =	vmul.f32 v31, v8;
	s15 =	spop (v2sf);
	s23 =	smul.f32 $-2.000000000e+00, s16  }
0x3b: {  	v33 =	vld [tilespmem:s13+$0x0];
	v12 =	vmov s5;
	v39 =	vmul.f32 v31, v10;
	v41 =	vmul.f32 v29, v10;
	s29 =	spop (v2sf);
	s25 =	smul.f32 $-2.000000000e+00, s15  }
0x3c: {  	s1 =	simm.s32 $0x2110;
	v14 =	vmov s6;
	v63 =	vmul.f32 v31, v12;
	v16 =	vmov s7;
	s30 =	spop (v2sf);
	s8 =	smul.f32 $-2.000000000e+00, s29  }
0x3d: {  	v23 =	vld [tilespmem:s1+$0x0];
	v20 =	vmul.f32 v29, v14;
	v18 =	vmov s23;
	v43 =	vmul.f32 v29, v16;
	s31 =	spop (v2sf);
	s9 =	smul.f32 $-2.000000000e+00, s30  }
0x3e: {  	v35 =	vld [tilespmem:s1+$0xFFFFFFF0];
	v21 =	vmov s25;
	v37 =	vmul.f32 v29, v18;
	s0 =	spop (v2sf);
	s10 =	smul.f32 $-2.000000000e+00, s31;
	v7 =	vmov s8  }
0x3f: {  	v44 =	vmul.f32 v31, v21;
	v46 =	vmul.f32 v29, v21;
	s12 =	smul.f32 $-2.000000000e+00, s0;
	v9 =	vmov s9  }
0x40: {  	v27 =	vmul.f32 v26, v7;
	v30 =	vmul.f32 v33, v7;
	v11 =	vmov s10  }
0x41: {  	[dreg:$0xf] =	wrdreg s2;
	s2 =	spop (v2sf);
	v38 =	vmul.f32 v26, v9;
	v61 =	vmul.f32 v33, v9;
	v13 =	vmov s12  }
0x42: {  	s21 =	smul.f32 $-2.000000000e+00, s2;
	v28 =	vmul.f32 v26, v11;
	v42 =	vadd.f32 v23, v30;
	v30 =	vmul.f32 v31, v6  }
0x43: {  	s11 =	spop (v2sf);
	v32 =	vadd.f32 v35, v27;
	v27 =	vmul.f32 v31, v16;
	v50 =	vmul.f32 v33, v11  }
0x44: {  	s22 =	smul.f32 $-2.000000000e+00, s11;
	v15 =	vmov s21;
	v36 =	vmul.f32 v26, v13;
	v38 =	vadd.f32 v35, v38  }
0x45: {  	s12 =	spop (v2sf);
	v54 =	vadd.f32 v23, v61;
	v25 =	vmul.f32 v26, v15;
	v28 =	vadd.f32 v35, v28  }
0x46: {  	s24 =	smul.f32 $-2.000000000e+00, s12;
	v17 =	vmov s22;
	s28 =	spop (v2sf);
	v50 =	vadd.f32 v23, v50;
	v38 =	vadd.f32 v38, v60  }
0x47: {  	s26 =	smul.f32 $-2.000000000e+00, s28;
	v52 =	vmul.f32 v33, v17;
	v53 =	vadd.f32 v35, v36;
	v25 =	vadd.f32 v35, v25  }
0x48: {  	v19 =	vmov s24;
	v48 =	vadd.f32 v28, v39;
	v28 =	vadd.f32 v42, v59  }
0x49: {  	v39 =	vmul.f32 v33, v15;
	v22 =	vmov s26;
	v34 =	vmul.f32 v26, v19  }
0x4a: {  	v41 =	vadd.f32 v50, v41;
	v62 =	vadd.f32 v23, v52;
	v40 =	vmul.f32 v26, v22  }
0x4b: {  	v45 =	vmul.f32 v33, v22;
	v26 =	vmul.f32 v26, v17;
	v51 =	vadd.f32 v35, v34  }
0x4c: {  	v34 =	vmin.f32 v24, v38;
	v38 =	vmin.f32 v24, v48;
	v36 =	vadd.f32 v62, v43  }
0x4d: {  	v47 =	vadd.f32 v35, v40;
	v40 =	vmul.f32 v33, v13;
	v33 =	vmul.f32 v33, v19  }
0x4e: {  	v48 =	vadd.f32 v53, v63;
	v43 =	vadd.f32 v35, v26;
	v26 =	vmul.f32 v31, v18  }
0x4f: {  	v42 =	vmul.f32 v31, v14;
	v33 =	vadd.f32 v23, v33;
	v44 =	vadd.f32 v47, v44  }
0x50: {  	[dreg:$0x12] =	wrdreg s19;
	v49 =	vadd.f32 v23, v45;
	v31 =	vmul.f32 v29, v8;
	v47 =	vadd.f32 v51, v26  }
0x51: {  	[dreg:$0xe] =	wrdreg s20;
	v26 =	vimm.f32 $3.000000010e+38;
	v45 =	vadd.f32 v33, v37;
	v35 =	vmin.f32 v24, v44  }
0x52: {  	s3 =	simm.s32 $0x0;
	[dreg:$0xd] =	wrdreg s16;
	v37 =	vadd.f32 v49, v46;
	v44 =	vadd.f32 v54, v31;
	v46 =	vmul.f32 v29, v12  }
0x53: {  	s4 =	simm.s32 $0x1130;
	s5 =	simm.s32 $0x130;
	[dreg:$0xc] =	wrdreg s15;
	v29 =	vimm.f32 $3.000000010e+38;
	v31 =	vimm.f32 $3.000000010e+38;
	v33 =	vimm.f32 $3.000000010e+38  }
.LBB2_3:
0x54: {  	v49 =	vld [tilespmem:s4+$0xFFFFFFF0];
	s3 =	sadd.s32 $0x2, s3;
	v24 =	vmin.f32 v24, v48;
	v25 =	vadd.f32 v25, v42;
	v40 =	vadd.f32 v23, v40;
	s1 =	sadd.s32 $0x20, s1  }
0x55: {  	v30 =	vadd.f32 v32, v30;
	v23 =	vadd.f32 v23, v39;
	v50 =	vld [tilespmem:s5+$0x0];
	p0 =	slt.u32 s3, $0xFE;
	v29 =	vmin.f32 v29, v47  }
0x56: {  	v35 =	vmin.f32 v35, v37;
	v47 =	vld [tilespmem:s5+$0xFFFFFFF0];
	v32 =	vadd.f32 v40, v46;
	v29 =	vmin.f32 v29, v45  }
0x57: {  	v30 =	vmin.f32 v31, v30;
	v25 =	vmin.f32 v33, v25;
	v33 =	vadd.f32 v23, v20;
	v37 =	vld [tilespmem:s4+$0x0]  }
0x58: {  	v27 =	vadd.f32 v43, v27;
	v38 =	vmin.f32 v38, v41;
	v34 =	vmin.f32 v34, v44;
	v45 =	vld [tilespmem:s1+$0xFFFFFFF0]  }
0x59: {  	v31 =	vmin.f32 v30, v28;
	v39 =	vmul.f32 v49, v7;
	v41 =	vmul.f32 v49, v13;
	v23 =	vld [tilespmem:s1+$0x0]  }
0x5a: {  	v26 =	vmin.f32 v26, v27;
	v28 =	vmul.f32 v49, v11;
	v20 =	vmul.f32 v50, v14  }
0x5b: {  	v33 =	vmin.f32 v25, v33;
	v27 =	vmul.f32 v49, v15;
	v44 =	vmul.f32 v50, v18  }
0x5c: {  	v26 =	vmin.f32 v26, v36;
	v43 =	vmul.f32 v49, v19;
	v46 =	vmul.f32 v50, v16  }
0x5d: {  	v24 =	vmin.f32 v24, v32;
	v36 =	vmul.f32 v49, v9;
	v25 =	vadd.f32 v45, v27  }
0x5e: {  	v40 =	vmul.f32 v47, v10;
	v28 =	vadd.f32 v45, v28;
	v27 =	vmul.f32 v37, v7  }
0x5f: {  	v51 =	vmul.f32 v50, v10;
	v48 =	vmul.f32 v47, v21  }
0x60: {  	v42 =	vmul.f32 v49, v22;
	v52 =	vadd.f32 v23, v27;
	v27 =	vmul.f32 v37, v22  }
0x61: {  	v53 =	vmul.f32 v50, v21;
	v30 =	vmul.f32 v47, v6;
	v32 =	vadd.f32 v45, v39  }
0x62: {  	v54 =	vadd.f32 v45, v42;
	v39 =	vmul.f32 v50, v6;
	v55 =	vadd.f32 v23, v27  }
0x63: {  	v42 =	vmul.f32 v47, v8;
	v36 =	vadd.f32 v45, v36;
	v27 =	vmul.f32 v47, v16  }
0x64: {  	v56 =	vadd.f32 v28, v40;
	v40 =	vmul.f32 v37, v13;
	v28 =	vadd.f32 v52, v39  }
0x65: {  	v36 =	vadd.f32 v36, v42;
	v52 =	vmul.f32 v37, v11;
	v39 =	vmul.f32 v37, v15  }
0x66: {  	v49 =	vmul.f32 v49, v17;
	v57 =	vadd.f32 v45, v43;
	v42 =	vmul.f32 v47, v14  }
0x67: {  	v43 =	vmul.f32 v37, v17;
	v34 =	vmin.f32 v34, v36;
	v36 =	vmul.f32 v37, v9  }
0x68: {  	v58 =	vadd.f32 v45, v41;
	v37 =	vmul.f32 v37, v19;
	v41 =	vadd.f32 v23, v52  }
0x69: {  	v38 =	vmin.f32 v38, v56;
	v52 =	vadd.f32 v23, v36;
	v36 =	vadd.f32 v23, v43  }
.Ltmp0:
0x6a: {  	v56 =	vmul.f32 v50, v8;
	v37 =	vadd.f32 v23, v37;
	v41 =	vadd.f32 v41, v51;
	(pc) =	sbr.rel @p0 .LBB2_3-.Ltmp0, $4  }
0x6b: {  	v54 =	vadd.f32 v54, v48;
	v51 =	vmul.f32 v47, v12;
	v36 =	vadd.f32 v36, v46  }
0x6c: {  	v43 =	vadd.f32 v45, v49;
	v46 =	vmul.f32 v47, v18;
	v45 =	vadd.f32 v37, v44  }
0x6d: {  	v35 =	vmin.f32 v35, v54;
	v37 =	vadd.f32 v55, v53;
	v48 =	vadd.f32 v58, v51  }
0x6e: {  	s5 =	sadd.s32 $0x20, s5;
	s4 =	sadd.s32 $0x20, s4;
	v44 =	vadd.f32 v52, v56;
	v47 =	vadd.f32 v57, v46;
	v46 =	vmul.f32 v50, v12  }
0x6f: {  	v7 =	vadd.f32 v25, v42;
	v8 =	vadd.f32 v23, v40  }
0x70: {  	v6 =	vmin.f32 v24, v48;
	v9 =	vadd.f32 v32, v30;
	v11 =	vadd.f32 v23, v39  }
0x71: {  	(v2sf) =	vpush v5, $0x8;
	v59 =	vadd.f32 v43, v27;
	v15 =	vmin.f32 v38, v41  }
0x72: {  	v41 =	vimm.f32 $3.000000010e+38;
	v10 =	vmin.f32 v29, v47;
	(v2sf) =	vpush v5, $0x9  }
0x73: {  	v14 =	vmin.f32 v34, v44;
	v8 =	vadd.f32 v8, v46;
	v9 =	vmin.f32 v31, v9  }
0x74: {  	v12 =	vmin.f32 v10, v45;
	v7 =	vmin.f32 v33, v7;
	v9 =	vmin.f32 v9, v28  }
0x75: {  	(v2sf) =	vpush v5, $0xA;
	v60 =	vperm.xlane v14, v0;
	v13 =	vperm.xlane v9, v0  }
0x76: {  	v58 =	vadd.f32 v11, v20;
	v11 =	vmin.f32 v26, v59;
	(v2sf) =	vpush v5, $0xB  }
0x77: {  	(v2sf) =	vpush v5, $0xC;
	v10 =	vmin.f32 v14, v60;
	v9 =	vmin.f32 v9, v13  }
0x78: {  	(v2sf) =	vpush v5, $0xD;
	v13 =	vmin.f32 v7, v58;
	v7 =	vperm.xlane v9, v1  }
0x79: {  	v11 =	vmin.f32 v11, v36;
	v14 =	vperm.xlane v10, v1;
	(v2sf) =	vpush v5, $0xE  }
0x7a: {  	(v2sf) =	vpush v5, $0xF;
	v5 =	vmin.f32 v9, v7;
	v7 =	vperm.xlane v15, v0  }
0x7b: {  	v6 =	vmin.f32 v6, v8;
	(v2sf) =	vpush v4, $0x8;
	v9 =	vperm.xlane v5, v2  }
0x7c: {  	v63 =	vperm.xlane v6, v0;
	v62 =	vmin.f32 v10, v14;
	v7 =	vmin.f32 v15, v7  }
0x7d: {  	(v2sf) =	vpush v4, $0x9;
	v5 =	vmin.f32 v5, v9;
	v61 =	vperm.xlane v7, v1  }
0x7e: {  	v14 =	vperm.xlane v62, v2;
	(v2sf) =	vpush v4, $0xA;
	[tilespmem:$0x1FF50] =	vst v5;
	v5 =	vperm.xlane v5, v3  }
0x7f: {  	v16 =	vmin.f32 v6, v63;
	(v2sf) =	vpush v4, $0xB;
	v7 =	vmin.f32 v7, v61  }
0x80: {  	(v2sf) =	vpush v4, $0xC;
	v15 =	vperm.xlane v7, v2;
	[tilespmem:$0x1FF60] =	vst v5;
	v5 =	vmin.f32 v62, v14  }
0x81: {  	(v2sf) =	vpush v4, $0xD;
	v14 =	vperm.xlane v16, v1;
	[tilespmem:$0x1FF70] =	vst v5;
	v5 =	vperm.xlane v5, v3  }
0x82: {  	s1 =	spop (v2sf);
	(v2sf) =	vpush v4, $0xE;
	v6 =	vmin.f32 v7, v15;
	v15 =	vperm.xlane v13, v0  }
0x83: {  	s9 =	spop (v2sf);
	s3 =	smul.f32 $-2.000000000e+00, s1;
	v14 =	vmin.f32 v16, v14;
	v16 =	vmin.f32 v35, v37;
	[tilespmem:$0x1FF80] =	vst v5;
	v5 =	vperm.xlane v6, v3  }
0x84: {  	(v2sf) =	vpush v4, $0xF;
	s8 =	spop (v2sf);
	s5 =	smul.f32 $-2.000000000e+00, s9;
	v4 =	vperm.xlane v14, v2;
	v18 =	vperm.xlane v16, v0  }
0x85: {  	s7 =	spop (v2sf);
	s6 =	smul.f32 $-2.000000000e+00, s8;
	v22 =	vmov s3;
	v13 =	vmin.f32 v13, v15;
	v15 =	vperm.xlane v11, v0  }
0x86: {  	s4 =	spop (v2sf);
	s18 =	smul.f32 $-2.000000000e+00, s7;
	v25 =	vmov s5;
	v17 =	vperm.xlane v13, v1;
	v4 =	vmin.f32 v14, v4  }
0x87: {  	s15 =	spop (v2sf);
	s22 =	smul.f32 $-2.000000000e+00, s4;
	v28 =	vmov s6;
	v11 =	vmin.f32 v11, v15;
	v15 =	vperm.xlane v12, v0  }
0x88: {  	[tilespmem:$0x1FFA0] =	vst v5;
	s14 =	spop (v2sf);
	v5 =	vperm.xlane v4, v3;
	s25 =	smul.f32 $-2.000000000e+00, s15;
	v30 =	vmov s18;
	v13 =	vmin.f32 v13, v17  }
0x89: {  	s26 =	simm.s32 $0x1110;
	v14 =	vperm.xlane v11, v1;
	s13 =	spop (v2sf);
	v33 =	vmov s22;
	v17 =	vperm.xlane v13, v2  }
0x8a: {  	v21 =	vld [tilespmem:s26+$0xFFFFFFF0];
	v12 =	vmin.f32 v12, v15;
	v15 =	vmin.f32 v16, v18;
	s21 =	spop (v2sf);
	v36 =	vmov s25;
	s25 =	smul.f32 $-2.000000000e+00, s13  }
0x8b: {  	v44 =	vld [tilespmem:s26+$0x0];
	v14 =	vmin.f32 v11, v14;
	v16 =	vperm.xlane v12, v1;
	v18 =	vperm.xlane v15, v1;
	s16 =	smul.f32 $-2.000000000e+00, s21  }
0x8c: {  	s22 =	simm.s32 $0x2110;
	s20 =	spop (v2sf);
	v19 =	vperm.xlane v14, v2;
	v13 =	vmin.f32 v13, v17;
	v40 =	vmov s25  }
0x8d: {  	v31 =	vld [tilespmem:s22+$0x0];
	s10 =	spop (v2sf);
	s23 =	smul.f32 $-2.000000000e+00, s20;
	v16 =	vmin.f32 v12, v16;
	v20 =	vmin.f32 v15, v18;
	v23 =	vmov s16  }
0x8e: {  	[tilespmem:$0x1FFB0] =	vst v5;
	s24 =	smul.f32 $-2.000000000e+00, s10;
	s19 =	spop (v2sf);
	v5 =	vperm.xlane v13, v3;
	v12 =	vmin.f32 v14, v19;
	v14 =	vperm.xlane v16, v2  }
0x8f: {  	v19 =	vperm.xlane v20, v2;
	s16 =	spop (v2sf);
	v26 =	vmov s23;
	s23 =	smul.f32 $-2.000000000e+00, s19;
	v27 =	vmul.f32 v21, v23  }
0x90: {  	v45 =	vld [tilespmem:s22+$0xFFFFFFF0];
	v53 =	vmul.f32 v44, v23;
	v29 =	vmov s24;
	s24 =	simm.s32 $0x110;
	s3 =	spop (v2sf);
	[tilespmem:$0x1FFC0] =	vst v5;
	v5 =	vperm.xlane v12, v3;
	s18 =	smul.f32 $-2.000000000e+00, s16  }
0x91: {  	v49 =	vmul.f32 v21, v26;
	v48 =	vld [tilespmem:s24+$0x0];
	v17 =	vmin.f32 v16, v14;
	v32 =	vmov s23;
	s23 =	smul.f32 $-2.000000000e+00, s3  }
0x92: {  	v14 =	vmin.f32 v20, v19;
	v20 =	vld [tilespmem:s24+$0xFFFFFFF0];
	s24 =	smul.f32 $-2.000000000e+00, s14;
	v9 =	vmul.f32 v21, v29;
	v53 =	vadd.f32 v31, v53  }
0x93: {  	v11 =	vmul.f32 v44, v29;
	[tilespmem:$0x1FFD0] =	vst v5;
	s5 =	spop (v2sf);
	v5 =	vperm.xlane v17, v3;
	v35 =	vmov s18  }
0x94: {  	v46 =	vmul.f32 v21, v32;
	s18 =	smul.f32 $-2.000000000e+00, s5;
	v37 =	vmov s23;
	v38 =	vmov s24  }
0x95: {  	v10 =	vmul.f32 v21, v35;
	v34 =	vadd.f32 v45, v9;
	[tilespmem:$0x1FFE0] =	vst v5;
	v5 =	vperm.xlane v14, v3  }
0x96: {  	v9 =	vmul.f32 v44, v37;
	v39 =	vmov s18;
	v24 =	vmul.f32 v48, v33  }
0x97: {  	v55 =	vadd.f32 v45, v27;
	v47 =	vmul.f32 v48, v38;
	v50 =	vmul.f32 v21, v39  }
0x98: {  	v62 =	vadd.f32 v45, v49;
	s6 =	spop (v2sf);
	v51 =	vmul.f32 v48, v36;
	v52 =	vmul.f32 v20, v28  }
0x99: {  	s26 =	smul.f32 $-2.000000000e+00, s6;
	v46 =	vadd.f32 v45, v46;
	v58 =	vmul.f32 v20, v40;
	v56 =	vmul.f32 v48, v28  }
0x9a: {  	v43 =	vadd.f32 v45, v10;
	v54 =	vmul.f32 v20, v22;
	v60 =	vmul.f32 v48, v40  }
0x9b: {  	v42 =	vmov s26;
	v27 =	vmul.f32 v48, v22;
	v8 =	vmul.f32 v20, v25  }
0x9c: {  	v10 =	vadd.f32 v31, v11;
	v11 =	vmul.f32 v44, v39;
	v57 =	vmul.f32 v21, v42  }
0x9d: {  	v59 =	vmul.f32 v44, v42;
	v52 =	vadd.f32 v34, v52;
	v49 =	vadd.f32 v53, v27  }
0x9e: {  	v21 =	vmul.f32 v21, v37;
	v62 =	vadd.f32 v62, v8;
	v53 =	vadd.f32 v10, v56  }
0x9f: {  	v27 =	vmul.f32 v20, v36;
	v34 =	vadd.f32 v31, v9;
	v50 =	vadd.f32 v45, v50  }
0xa0: {  	v56 =	vmul.f32 v44, v35;
	v8 =	vadd.f32 v31, v11;
	v61 =	vadd.f32 v45, v57  }
0xa1: {  	v63 =	vadd.f32 v31, v59;
	v57 =	vmul.f32 v44, v32;
	v59 =	vmul.f32 v20, v33  }
0xa2: {  	v34 =	vadd.f32 v34, v51;
	v51 =	vmin.f32 v41, v62;
	v62 =	vmul.f32 v44, v26  }
0xa3: {  	v44 =	vadd.f32 v45, v21;
	v21 =	vmul.f32 v20, v30;
	v20 =	vmul.f32 v20, v38  }
0xa4: {  	v45 =	vadd.f32 v8, v47;
	v8 =	vmul.f32 v48, v25;
	v61 =	vadd.f32 v61, v58  }
0xa5: {  	v58 =	vmin.f32 v41, v52;
	v47 =	vadd.f32 v63, v60;
	v52 =	vadd.f32 v31, v62  }
0xa6: {  	v62 =	vadd.f32 v46, v21;
	v50 =	vadd.f32 v50, v20;
	v20 =	vimm.f32 $3.000000010e+38  }
0xa7: {  	[tilespmem:$0x1FF90] =	vst v6;
	v21 =	vimm.f32 $3.000000010e+38;
	v46 =	vmin.f32 v41, v61;
	v61 =	vmul.f32 v48, v30  }
0xa8: {  	s23 =	simm.s32 $0x0;
	s24 =	simm.s32 $0x1130;
	s18 =	simm.s32 $0x130;
	[tilespmem:$0x1FFF0] =	vst v5;
	v48 =	vimm.f32 $3.000000010e+38;
	v60 =	vadd.f32 v52, v8;
	v52 =	vimm.f32 $3.000000010e+38  }
.LBB2_5:
0xa9: {  	v8 =	vld [tilespmem:s24+$0xFFFFFFF0];
	s23 =	sadd.s32 $0x2, s23;
	v41 =	vmin.f32 v41, v62;
	v43 =	vadd.f32 v43, v59;
	v57 =	vadd.f32 v31, v57;
	s22 =	sadd.s32 $0x20, s22  }
0xaa: {  	v54 =	vadd.f32 v55, v54;
	v31 =	vadd.f32 v31, v56;
	v63 =	vld [tilespmem:s18+$0x0];
	p0 =	slt.u32 s23, $0xFE;
	v20 =	vmin.f32 v20, v50  }
0xab: {  	v46 =	vmin.f32 v46, v47;
	v50 =	vld [tilespmem:s18+$0xFFFFFFF0];
	v55 =	vadd.f32 v57, v61;
	v20 =	vmin.f32 v20, v45  }
0xac: {  	v47 =	vmin.f32 v52, v54;
	v43 =	vmin.f32 v48, v43;
	v48 =	vadd.f32 v31, v24;
	v45 =	vld [tilespmem:s24+$0x0]  }
0xad: {  	v27 =	vadd.f32 v44, v27;
	v53 =	vmin.f32 v58, v53;
	v44 =	vmin.f32 v51, v60;
	v61 =	vld [tilespmem:s22+$0xFFFFFFF0]  }
0xae: {  	v52 =	vmin.f32 v47, v49;
	v51 =	vmul.f32 v8, v23;
	v58 =	vmul.f32 v8, v32;
	v31 =	vld [tilespmem:s22+$0x0]  }
0xaf: {  	v21 =	vmin.f32 v21, v27;
	v47 =	vmul.f32 v8, v29;
	v24 =	vmul.f32 v63, v33  }
0xb0: {  	v48 =	vmin.f32 v43, v48;
	v27 =	vmul.f32 v8, v35;
	v60 =	vmul.f32 v63, v38  }
0xb1: {  	v21 =	vmin.f32 v21, v34;
	v62 =	vmul.f32 v8, v39;
	v9 =	vmul.f32 v63, v36  }
0xb2: {  	v41 =	vmin.f32 v41, v55;
	v34 =	vmul.f32 v8, v26;
	v43 =	vadd.f32 v61, v27  }
0xb3: {  	v49 =	vmul.f32 v50, v28;
	v47 =	vadd.f32 v61, v47;
	v27 =	vmul.f32 v45, v23  }
0xb4: {  	v11 =	vmul.f32 v63, v28;
	v10 =	vmul.f32 v50, v40  }
0xb5: {  	v56 =	vmul.f32 v8, v42;
	v57 =	vadd.f32 v31, v27;
	v27 =	vmul.f32 v45, v42  }
0xb6: {  	v15 =	vmul.f32 v63, v40;
	v54 =	vmul.f32 v50, v22;
	v55 =	vadd.f32 v61, v51  }
0xb7: {  	v16 =	vadd.f32 v61, v56;
	v51 =	vmul.f32 v63, v22;
	v18 =	vadd.f32 v31, v27  }
0xb8: {  	v56 =	vmul.f32 v50, v25;
	v34 =	vadd.f32 v61, v34;
	v27 =	vmul.f32 v50, v36  }
0xb9: {  	v47 =	vadd.f32 v47, v49;
	v49 =	vadd.f32 v57, v51;
	v57 =	vmul.f32 v45, v32  }
0xba: {  	v19 =	vmul.f32 v45, v29;
	v34 =	vadd.f32 v34, v56;
	v56 =	vmul.f32 v45, v35  }
0xbb: {  	v8 =	vmul.f32 v8, v37;
	v59 =	vmul.f32 v50, v33;
	v5 =	vadd.f32 v61, v62  }
0xbc: {  	v51 =	vmin.f32 v44, v34;
	v34 =	vmul.f32 v45, v26;
	v44 =	vmul.f32 v45, v37  }
0xbd: {  	v62 =	vadd.f32 v61, v58;
	v19 =	vadd.f32 v31, v19;
	v45 =	vmul.f32 v45, v39  }
0xbe: {  	v58 =	vmin.f32 v53, v47;
	v6 =	vadd.f32 v31, v34;
	v34 =	vadd.f32 v31, v44  }
.Ltmp1:
0xbf: {  	v7 =	vmul.f32 v63, v25;
	v53 =	vadd.f32 v19, v11;
	v11 =	vadd.f32 v31, v45;
	(pc) =	sbr.rel @p0 .LBB2_5-.Ltmp1, $4  }
0xc0: {  	v10 =	vadd.f32 v16, v10;
	v19 =	vmul.f32 v50, v30;
	v34 =	vadd.f32 v34, v9  }
0xc1: {  	v44 =	vadd.f32 v61, v8;
	v8 =	vmul.f32 v50, v38;
	v45 =	vadd.f32 v11, v60  }
0xc2: {  	v46 =	vmin.f32 v46, v10;
	v62 =	vadd.f32 v62, v19;
	v47 =	vadd.f32 v18, v15  }
0xc3: {  	s18 =	sadd.s32 $0x20, s18;
	s24 =	sadd.s32 $0x20, s24;
	v61 =	vmul.f32 v63, v30;
	v50 =	vadd.f32 v5, v8;
	v60 =	vadd.f32 v6, v7  }
0xc4: {  	v5 =	vld [tilespmem:$0x1FF50]  }
0xc5: {  	v6 =	vld [tilespmem:$0x1FF60];
	v25 =	vadd.f32 v55, v54  }
0xc6: {  	v7 =	vld [tilespmem:$0x1FF70];
	v32 =	vadd.f32 v43, v59;
	v15 =	vadd.f32 v31, v57  }
0xc7: {  	v8 =	vld [tilespmem:$0x1FF80];
	v33 =	vadd.f32 v31, v56;
	v36 =	vmin.f32 v41, v62;
	v18 =	vmin.f32 v58, v53  }
0xc8: {  	s22 =	smul.f32 s29, s29;
	v26 =	vld [tilespmem:$0x1FF90];
	vm0 =	vmmov $0x1;
	vm14 =	vmmov $0x3;
	vm15 =	vmmov $0x7  }
0xc9: {  	s18 =	rddreg [dreg:$0x12];
	s24 =	smul.f32 s30, s30;
	v9 =	vld [tilespmem:$0x1FFA0];
	vm4 =	vmmov $0xf;
	v54 =	vmin.f32 v46, v47;
	vm5 =	vmmov $0x1f  }
0xca: {  	s23 =	rddreg [dreg:$0x13];
	s26 =	smul.f32 s31, s31;
	v28 =	vld [tilespmem:$0x1FFB0];
	vm6 =	vmmov $0x3f;
	vm7 =	vmmov $0x7f;
	vm8 =	vmmov $0xff  }
0xcb: {  	s25 =	rddreg [dreg:$0xf];
	s0 =	smul.f32 s0, s0;
	v29 =	vld [tilespmem:$0x1FFC0];
	vm9 =	vmmov $0x1ff;
	vm10 =	vmmov $0x3ff;
	vm11 =	vmmov $0x7ff  }
0xcc: {  	s30 =	rddreg [dreg:$0x10];
	v10 =	vld [tilespmem:$0x1FFD0];
	vm12 =	vmmov $0xfff;
	vm13 =	vmmov $0x1fff;
	s18 =	smul.f32 s18, s18;
	v37 =	vmin.f32 v51, v60  }
0xcd: {  	s31 =	rddreg [dreg:$0x11];
	v11 =	vld [tilespmem:$0x1FFE0];
	s23 =	smul.f32 s23, s23;
	v22 =	vperm.xlane v18, v0;
	v51 =	vmin.f32 v20, v50;
	v15 =	vadd.f32 v15, v61  }
0xce: {  	s2 =	smul.f32 s2, s2;
	v16 =	vld [tilespmem:$0x1FFF0];
	v57 =	vperm.xlane v54, v0;
	v38 =	vperm.xlane v37, v0;
	v53 =	vmin.f32 v51, v45;
	s18 =	sadd.f32 s22, s18  }
0xcf: {  	s25 =	smul.f32 s25, s25;
	s22 =	sadd.f32 s24, s23;
	v40 =	vmin.f32 v18, v22;
	v55 =	vperm.xlane v53, v0;
	v15 =	vmin.f32 v36, v15  }
0xd0: {  	s29 =	smul.f32 s30, s30;
	s24 =	rddreg [dreg:$0xe];
	v22 =	vperm.xlane v40, v1;
	v5 =	vmin.f32 v5, v6;
	v7 =	vmin.f32 v7, v8  }
0xd1: {  	s30 =	smul.f32 s31, s31;
	s31 =	sadd.f32 s26, s25;
	v8 =	vmin.f32 v26, v9;
	v6 =	vmin.f32 v52, v25;
	v4 =	vmin.f32 v4, v28  }
0xd2: {  	s11 =	smul.f32 s11, s11;
	s0 =	sadd.f32 s0, s29;
	v9 =	vmin.f32 v13, v29;
	v10 =	vmin.f32 v12, v10;
	v11 =	vmin.f32 v17, v11  }
0xd3: {  	s12 =	smul.f32 s12, s12;
	s25 =	rddreg [dreg:$0xd];
	v14 =	vmin.f32 v14, v16;
	v13 =	vmin.f32 v48, v32;
	v12 =	vadd.f32 v33, v24  }
0xd4: {  	s2 =	sadd.f32 s2, s30;
	s23 =	smul.f32 s24, s24;
	v39 =	vperm.xlane v15, v0;
	v5 =	vadd.f32 s18, v5;
	v7 =	vadd.f32 s22, v7  }
0xd5: {  	s24 =	smul.f32 s25, s25;
	v16 =	vmin.f32 v37, v38;
	v8 =	vadd.f32 s31, v8;
	v4 =	vadd.f32 s0, v4  }
0xd6: {  	s11 =	sadd.f32 s11, s23;
	v9 =	vadd.f32 s2, v9;
	v6 =	vmin.f32 v6, v49;
	v42 =	vperm.xlane v16, v1  }
0xd7: {  	s26 =	sadd.f32 s12, s24;
	v17 =	vmin.f32 v40, v22;
	v49 =	vadd.f32 v44, v27;
	v30 =	vperm.xlane v6, v0  }
0xd8: {  	v12 =	vmin.f32 v13, v12;
	v13 =	vmin.f32 v15, v39;
	v22 =	vperm.xlane v17, v2  }
0xd9: {  	s29 =	rddreg [dreg:$0xc];
	s30 =	smul.f32 s28, s28;
	v10 =	vadd.f32 s11, v10;
	v11 =	vadd.f32 s26, v11;
	v41 =	vperm.xlane v12, v0  }
0xda: {  	s2 =	smul.f32 s29, s29;
	v23 =	vperm.xlane v13, v1;
	v16 =	vmin.f32 v16, v42;
	v5 =	vsel vm0, v5, v7  }
0xdb: {  	v7 =	vmin.f32 v53, v55;
	v6 =	vmin.f32 v6, v30;
	v17 =	vmin.f32 v17, v22  }
0xdc: {  	s31 =	sadd.f32 s30, s2;
	v5 =	vsel vm14, v5, v8;
	v58 =	vperm.xlane v7, v1;
	v13 =	vmin.f32 v13, v23  }
0xdd: {  	v8 =	vmin.f32 v54, v57;
	v35 =	vperm.xlane v6, v1;
	v48 =	vperm.xlane v13, v2  }
0xde: {  	v14 =	vadd.f32 s31, v14;
	v12 =	vmin.f32 v12, v41;
	v22 =	vperm.xlane v17, v3  }
0xdf: {  	s1 =	smul.f32 s1, s1;
	v4 =	vsel vm15, v5, v4;
	v60 =	vperm.xlane v8, v1;
	v13 =	vmin.f32 v13, v48  }
0xe0: {  	s8 =	smul.f32 s8, s8;
	v18 =	vperm.xlane v12, v1;
	v4 =	vsel vm4, v4, v9;
	v15 =	vperm.xlane v13, v3  }
0xe1: {  	s10 =	smul.f32 s10, s10;
	v7 =	vmin.f32 v7, v58;
	v6 =	vmin.f32 v6, v35;
	v17 =	vmin.f32 v17, v22  }
0xe2: {  	s7 =	smul.f32 s7, s7;
	v4 =	vsel vm5, v4, v10;
	v13 =	vmin.f32 v13, v15;
	v15 =	vmin.f32 v21, v49  }
0xe3: {  	s18 =	smul.f32 s19, s19;
	s19 =	sadd.f32 s10, s8;
	v61 =	vperm.xlane v7, v2;
	v8 =	vmin.f32 v8, v60;
	v52 =	vmin.f32 v15, v34  }
0xe4: {  	s4 =	smul.f32 s4, s4;
	v19 =	vperm.xlane v6, v2;
	v12 =	vmin.f32 v12, v18;
	v5 =	vperm.xlane v52, v0  }
0xe5: {  	s2 =	smul.f32 s21, s21;
	v17 =	vadd.f32 s19, v17;
	v4 =	vsel vm6, v4, v11;
	v18 =	vperm.xlane v12, v2  }
0xe6: {  	s12 =	smul.f32 s20, s20;
	v6 =	vmin.f32 v6, v19;
	v19 =	vperm.xlane v16, v2;
	v5 =	vmin.f32 v52, v5  }
0xe7: {  	s20 =	smul.f32 s16, s16;
	s0 =	sadd.f32 s2, s1;
	v62 =	vperm.xlane v8, v2;
	v4 =	vsel vm7, v4, v14;
	v56 =	vperm.xlane v5, v1  }
0xe8: {  	s11 =	smul.f32 s9, s9;
	s1 =	sadd.f32 s18, s7;
	v43 =	vperm.xlane v6, v3;
	v12 =	vmin.f32 v12, v18;
	v16 =	vmin.f32 v16, v19  }
0xe9: {  	s25 =	smul.f32 s5, s5;
	s21 =	sadd.f32 s20, s4;
	v18 =	vperm.xlane v12, v3;
	v19 =	vperm.xlane v16, v3;
	v5 =	vmin.f32 v5, v56  }
0xea: {  	s22 =	smul.f32 s15, s15;
	s2 =	sadd.f32 s12, s11;
	v13 =	vadd.f32 s1, v13;
	v6 =	vmin.f32 v6, v43;
	v59 =	vperm.xlane v5, v2  }
0xeb: {  	s23 =	smul.f32 s3, s3;
	v6 =	vadd.f32 s0, v6;
	v12 =	vmin.f32 v12, v18;
	v16 =	vmin.f32 v16, v19  }
0xec: {  	s24 =	smul.f32 s14, s14;
	v12 =	vadd.f32 s21, v12;
	v16 =	vadd.f32 s2, v16;
	v5 =	vmin.f32 v5, v59  }
0xed: {  	s29 =	smul.f32 s6, s6;
	v4 =	vsel vm8, v4, v6;
	v6 =	vmin.f32 v7, v61;
	v10 =	vperm.xlane v5, v3  }
0xee: {  	s26 =	smul.f32 s13, s13;
	s0 =	sadd.f32 s23, s22;
	v7 =	vmin.f32 v8, v62;
	v63 =	vperm.xlane v6, v3;
	v4 =	vsel vm9, v4, v16  }
0xef: {  	s17 =	sadd.s32 $0x1, s17;
	s28 =	sadd.f32 s25, s24;
	v8 =	vperm.xlane v7, v3;
	v4 =	vsel vm10, v4, v17;
	v5 =	vmin.f32 v5, v10  }
0xf0: {  	p0 =	sne.s32 s17, $0x8;
	s30 =	sadd.f32 s29, s26;
	v6 =	vmin.f32 v6, v63;
	v4 =	vsel vm11, v4, v13;
	v5 =	vadd.f32 s0, v5  }
.Ltmp2:
0xf1: {  	v7 =	vmin.f32 v7, v8;
	v6 =	vadd.f32 s28, v6;
	v4 =	vsel vm12, v4, v12;
	(pc) =	sbr.rel @p0 .LBB2_2-.Ltmp2, $4  }
0xf2: {  	vm14 =	vmmov $0x3fff;
	v7 =	vadd.f32 s30, v7;
	v4 =	vsel vm13, v4, v5  }
0xf3: {  	vm15 =	vmmov $0x7fff;
	v4 =	vsel vm14, v4, v6  }
0xf4: {  	s31 =	rddreg [dreg:$0xb];
	v4 =	vsel vm15, v4, v7  }
0xf5: {  	[tilespmem:s31+$0x3100] =	vst v4  }
0xf6: {  	s5 =	simm.s32 $0x0;
	s0 =	rddreg [dreg:$0x8];
	s1 =	simm.s32 $0x3100  }
0xf7: {  	[hbm4b:s0+s5] =	stream.linear.scatter [tilespmem:s1], [sflag:$0x1], $0x80, $0x38;
	[tilespmem:$0x3180] =	vst v63  }
0xf8: {  	s1 =	simm.s32 $0x1  }
0xf9: {  	_ =	swait.ge [sflag:s1], $0x80  }
0xfa: {  	s2 =	rddreg [dreg:$0xa]  }
0xfb: {  	s31 =	rddreg [dreg:$0x9];
	s2 =	sadd.s32 $0x1, s2  }
0xfc: {  	p0 =	sne.s32 s2, s31  }
.Ltmp3:
0xfd: {  	_ = 	snop;
	(pc) =	sbr.rel @p0 .LBB2_1-.Ltmp3, $3  }
0xfe: {  	_ =	sdelay $0x1  }
0xff: {  	[sflag:s1] =	ssyncset.done $0x0  }
0x100: {  	[sflag:s1] =	ssyncadd.s32 $0xFFFFFF80  }
0x101: {  	_ =	sfence.sel $0x180000  }
0x102: {  	[bflag:$0x0] =	sbarrier.arrive $0xFFFF  }
0x103: {  	_ =	strace $0x90000047  }
0x104: {  	s0 =	stileid.u32;
	[bflag:$0x2] =	sbarrier.arrive $0xFFFF  }
0x105: {  	p0 =	sne.s32 s0, $0x0;
	s0 =	rddreg [dreg:$0x2]  }
0x106: {  	s0 =	sadd.s32 @!p0 $0x100000, s0  }
0x107: {  	[sflag:s0] =	ssyncadd.tile.s32 @!p0 $0x1;
	_ =	shalt  }
.Lfunc_end2:
_tile_overlayer_lowered:
.L_overlay_start_2:
0x108: {  	(tag) =	ssettag $0x2  }
0x109: {  	s0 =	rddreg [dreg:$0x0];
	s2 =	stileid.u32  }
0x10a: {  	s1 =	rddreg [dreg:$0x1];
	p0 =	sne.s32 s2, $0x0  }
0x10b: {  	s3 =	rddreg [dreg:$0x2];
	[bflag:$0x3] =	sbarrier.arrive $0xFFFF;
	s2 =	simm.s32 @!p0 $0x1C01  }
0x10c: {  	[timem:s3], [sflag:s2] =	dma.local @!p0 [hbm:s0], s1  }
0x10d: {  	s0 =	simm.s32 @!p0 $0x1  }
0x10e: {  	_ =	swait.ge @!p0 [sflag:s0], s1  }
0x10f: {  	s1 =	ssub.s32 @!p0 $0x0, s1;
	[sflag:s0] =	ssyncset.done @!p0 $0x0  }
0x110: {  	[sflag:s0] =	ssyncadd.s32 @!p0 s1  }
0x111: {  	[bflag:$0x3] =	sbarrier.arrive $0xFFFF  }
0x112: {  	_ =	shalt  }

</sc_bundles>
